<compile_context>
chip_gen: v7x
topology: tpu7x:2x2x1
jax: 0.10.2.dev20260603
libtpu: 0.0.44.dev20260713+nightly
codegen_flags: <defaults>
</compile_context>

<pallas_src>
import functools

import jax
import jax.numpy as jnp
from jax import lax
from jax.experimental import pallas as pl
from jax.experimental.pallas import tpu as pltpu
from jax.experimental.pallas import tpu_sc as plsc

D_MODEL = 4096
D_FF = 14336
N_EXPERTS = 8
B = 32
FF_TILE = 256
NT = D_FF // FF_TILE

_NEG_MIN = jnp.finfo(jnp.float32).min


def _gate_body(x_hbm, gates_t_hbm, mask_hbm, out_hbm, x_v, g_v, m_v, o_v):
    t = lax.axis_index("s") * 2 + lax.axis_index("c")
    pltpu.sync_copy(x_hbm.at[t], x_v)
    pltpu.sync_copy(gates_t_hbm, g_v)
    pltpu.sync_copy(mask_hbm, m_v)

    zeros = jnp.zeros((16,), jnp.float32)

    def body(j, accs):
        xv = x_v[pl.ds(j * 16, 16)]
        return tuple(
            accs[e] + xv * g_v[e, pl.ds(j * 16, 16)]
            for e in range(N_EXPERTS)
        )

    accs = lax.fori_loop(0, D_MODEL // 16, body, (zeros,) * N_EXPERTS)

    logits = []
    for a in accs:
        s = a[0]
        for k in range(1, 16):
            s = s + a[k]
        logits.append(s)

    ex0 = logits[0]
    for e in range(1, N_EXPERTS):
        ex0 = jnp.maximum(ex0, logits[e])
    masked = [jnp.where(l == ex0, _NEG_MIN, l) for l in logits]
    ex1 = masked[0]
    for e in range(1, N_EXPERTS):
        ex1 = jnp.maximum(ex1, masked[e])
    mv = m_v[...]
    c0 = jnp.float32(0.0)
    c1 = jnp.float32(0.0)
    for e in range(N_EXPERTS):
        me = mv[e]
        c0 = c0 + jnp.where(logits[e] == ex0, me, 0.0)
        c1 = c1 + jnp.where(logits[e] == ex1, me, 0.0)

    pre_v = 1.0 / (1.0 + jnp.exp(jnp.full((16,), ex1 - ex0, jnp.float32)))
    w_v = jnp.full((16,), c0, jnp.float32) * pre_v - \
        jnp.full((16,), c1, jnp.float32) * (pre_v - 1.0)
    o_v[...] = w_v
    pltpu.sync_copy(o_v, out_hbm.at[t])


_gate_sc = functools.partial(
    pl.kernel,
    mesh=plsc.VectorSubcoreMesh(core_axis_name="c", subcore_axis_name="s"),
    out_type=jax.ShapeDtypeStruct((B, 16), jnp.float32),
    scratch_types=[
        pltpu.VMEM((D_MODEL,), jnp.float32),
        pltpu.VMEM((N_EXPERTS, D_MODEL), jnp.float32),
        pltpu.VMEM((16,), jnp.float32),
        pltpu.VMEM((16,), jnp.float32),
    ],
)(_gate_body)


def _mlp_body(x_ref, w1_ref, w3_ref, w2_ref, out_ref, acc_ref):
    i = pl.program_id(0)

    @pl.when(i == 0)
    def _init():
        acc_ref[...] = jnp.zeros_like(acc_ref)

    xv = x_ref[...]
    h1 = jnp.dot(xv, w1_ref[...], preferred_element_type=jnp.float32)
    h3 = jnp.dot(xv, w3_ref[...], preferred_element_type=jnp.float32)
    g = (h1 * jax.nn.sigmoid(h1)) * h3
    acc_ref[...] += jnp.dot(g, w2_ref[...], preferred_element_type=jnp.float32)

    @pl.when(i == NT - 1)
    def _finish():
        out_ref[...] = acc_ref[...]


def _mlp(x2d, w1, w3, w2):
    return pl.pallas_call(
        _mlp_body,
        grid=(NT,),
        in_specs=[
            pl.BlockSpec((B, D_MODEL), lambda i: (0, 0)),
            pl.BlockSpec((D_MODEL, FF_TILE), lambda i: (0, i)),
            pl.BlockSpec((D_MODEL, FF_TILE), lambda i: (0, i)),
            pl.BlockSpec((FF_TILE, D_MODEL), lambda i: (i, 0)),
        ],
        out_specs=pl.BlockSpec((B, D_MODEL), lambda i: (0, 0)),
        out_shape=jax.ShapeDtypeStruct((B, D_MODEL), jnp.float32),
        scratch_shapes=[pltpu.VMEM((B, D_MODEL), jnp.float32)],
    )(x2d, w1, w3, w2)


@jax.jit
def _moe(x2d, gates, w1, w2, w3, expert_mask):
    gates_t = gates.T
    mpad = jnp.pad(expert_mask.reshape(N_EXPERTS), (0, 8))
    wts = _gate_sc(x2d, gates_t, mpad)
    mlp = _mlp(x2d, w1, w3, w2)
    return mlp * wts[:, :1]


def kernel(x, gates, w1, w2, w3, expert_mask):
    x2d = x.reshape(B, D_MODEL)
    out = _moe(x2d, gates, w1, w2, w3, expert_mask)
    return out.reshape(1, 1, B, D_MODEL)

# --- scband reference (transcript-rebuilt; emitter-appended) ---
"""Pipeline reference for scband-tt-moe-layer-36086315221559 (READ-ONLY COPY).

The authoritative reference and input builder live on the scoring server;
editing this copy changes nothing except your own understanding.
"""

import jax, jax.numpy as jnp
import numpy as np

D_MODEL = 4096
D_FF = 14336
N_EXPERTS = 8


def setup_inputs(seed: int = 0) -> dict:
    key = jax.random.key(seed)
    ks = jax.random.split(key, 5)
    x = jax.random.normal(ks[0], (1, 1, 32, D_MODEL), dtype=jnp.float32)
    gates = jax.random.normal(ks[1], (D_MODEL, N_EXPERTS), dtype=jnp.float32)
    w1 = jax.random.normal(ks[2], (D_MODEL, D_FF), dtype=jnp.float32) * 0.02
    w2 = jax.random.normal(ks[3], (D_FF, D_MODEL), dtype=jnp.float32) * 0.02
    w3 = jax.random.normal(ks[4], (D_MODEL, D_FF), dtype=jnp.float32) * 0.02
    # expert_mask for device/expert index 0 (one-hot column selector)
    expert_mask = jnp.zeros((N_EXPERTS, 1), dtype=jnp.float32).at[0, 0].set(1.0)
    return {"x": x, "gates": gates, "w1": w1, "w2": w2, "w3": w3, "expert_mask": expert_mask}


def reference(x, gates, w1, w2, w3, expert_mask):
    # --- gating: gate_logits_1SB8 = linear(x, gates) ---
    gate_logits = jnp.matmul(x, gates)  # (1,1,32,8)
    # --- top_2 routine ---
    ex0 = jnp.max(gate_logits, axis=3, keepdims=True)  # weights_ex0_1SB1
    cond0 = (gate_logits == ex0).astype(jnp.float32)   # eq with broadcast (== matmul with ones_1118)
    neg_min = jnp.finfo(jnp.float32).min
    masked = jnp.where(cond0 > 0, neg_min, gate_logits)  # where(cond0, top_2_mask, logits)
    ex1 = jnp.max(masked, axis=3, keepdims=True)          # weights_ex1_1SB1
    cond1 = (gate_logits == ex1).astype(jnp.float32)
    weights_exp = jnp.exp(ex1 - ex0)
    pre_softmax = 1.0 / (1.0 + weights_exp)               # reciprocal(ones + exp)
    c0 = jnp.matmul(cond0, expert_mask)  # (1,1,32,1): is this device's expert the top-1?
    c1 = jnp.matmul(cond1, expert_mask)  # is it the top-2?
    weights = c0 * pre_softmax - c1 * (pre_softmax - 1.0)  # (1,1,32,1)
    # --- expert MLP (TtMixtralMLP: SwiGLU) ---
    w1_out = jax.nn.silu(jnp.matmul(x, w1))
    w3_out = jnp.matmul(x, w3)
    w2_out = jnp.matmul(w1_out * w3_out, w2)  # (1,1,32,4096)
    return w2_out * weights

if __name__ == "__main__":
    import jax
    _d = setup_inputs()
    print(jax.jit(kernel)(*tuple(_d.values())))

</pallas_src>

<mosaic_0001>
#map = affine_map<(d0, d1) -> (0, 0)>
#map1 = affine_map<(d0, d1) -> (0)>
module attributes {stable_mosaic.version = 14 : i64} {
  func.func @_gate_body(%arg0: i32, %arg1: i32, %arg2: memref<32x4096xf32, #tpu.memory_space<hbm>>, %arg3: memref<8x4096xf32, #tpu.memory_space<hbm>>, %arg4: memref<16xf32, #tpu.memory_space<hbm>>, %arg5: memref<32x16xf32, #tpu.memory_space<hbm>>, %arg6: memref<4096xf32, #tpu.memory_space<vmem>>, %arg7: memref<8x4096xf32, #tpu.memory_space<vmem>>, %arg8: memref<16xf32, #tpu.memory_space<vmem>>, %arg9: memref<16xf32, #tpu.memory_space<vmem>>) attributes {dimension_semantics = [#tpu.dimension_semantics<core_parallel>, #tpu.dimension_semantics<subcore_parallel>], iteration_bounds = array<i64: 2, 16>, scalar_prefetch = 0 : i64, scratch_operands = 4 : i64, tpu.core_type = #tpu.core_type<sc_vector_subcore>, window_params = [{transform_indices = #map}, {transform_indices = #map}, {transform_indices = #map1}, {transform_indices = #map}]} {
    %mul3A = arith.constant 2 : i32
    %mul3A_0 = arith.muli %arg1, %mul3A : i32
    %add3A = arith.addi %mul3A_0, %arg0 : i32
    "tpu.region"() ({
      %run_scoped3A = tpu.sem_alloc : memref<!tpu.dma_semaphore, #tpu.memory_space<semaphore_mem>>
      %dma_start3A = arith.constant 0 : i32
      %dma_start3A_516 = tpu.memref_slice %arg2[%add3A, %dma_start3A] : memref<32x4096xf32, #tpu.memory_space<hbm>> -> memref<1x4096xf32, #tpu.memory_space<hbm>>
      %dma_start3A_517 = tpu.memref_squeeze %dma_start3A_516 : memref<1x4096xf32, #tpu.memory_space<hbm>> -> memref<4096xf32, #tpu.memory_space<hbm>>
      %dma_start3A_518 = arith.constant 0 : i32
      %dma_start3A_519 = tpu.memref_slice %arg2[%add3A, %dma_start3A_518] : memref<32x4096xf32, #tpu.memory_space<hbm>> -> memref<1x4096xf32, #tpu.memory_space<hbm>>
      %dma_start3A_520 = tpu.memref_squeeze %dma_start3A_519 : memref<1x4096xf32, #tpu.memory_space<hbm>> -> memref<4096xf32, #tpu.memory_space<hbm>>
      tpu.enqueue_dma source(%dma_start3A_520 : memref<4096xf32, #tpu.memory_space<hbm>>) target(%arg6 : memref<4096xf32, #tpu.memory_space<vmem>>) target_semaphore(%run_scoped3A : memref<!tpu.dma_semaphore, #tpu.memory_space<semaphore_mem>>)
      %dma_wait3A = arith.constant 0 : i32
      %dma_wait3A_521 = tpu.memref_slice %arg2[%add3A, %dma_wait3A] : memref<32x4096xf32, #tpu.memory_space<hbm>> -> memref<1x4096xf32, #tpu.memory_space<hbm>>
      %dma_wait3A_522 = tpu.memref_squeeze %dma_wait3A_521 : memref<1x4096xf32, #tpu.memory_space<hbm>> -> memref<4096xf32, #tpu.memory_space<hbm>>
      %dma_wait3A_523 = arith.constant 0 : i32
      %dma_wait3A_524 = tpu.memref_slice %arg2[%add3A, %dma_wait3A_523] : memref<32x4096xf32, #tpu.memory_space<hbm>> -> memref<1x4096xf32, #tpu.memory_space<hbm>>
      %dma_wait3A_525 = tpu.memref_squeeze %dma_wait3A_524 : memref<1x4096xf32, #tpu.memory_space<hbm>> -> memref<4096xf32, #tpu.memory_space<hbm>>
      tpu.wait_dma2 semaphore(%run_scoped3A : memref<!tpu.dma_semaphore, #tpu.memory_space<semaphore_mem>>) src(%dma_wait3A_525 : memref<4096xf32, #tpu.memory_space<hbm>>) dst(%arg6 : memref<4096xf32, #tpu.memory_space<vmem>>)
      tpu.yield
    }) : () -> ()
    "tpu.region"() ({
      %run_scoped3A = tpu.sem_alloc : memref<!tpu.dma_semaphore, #tpu.memory_space<semaphore_mem>>
      tpu.enqueue_dma source(%arg3 : memref<8x4096xf32, #tpu.memory_space<hbm>>) target(%arg7 : memref<8x4096xf32, #tpu.memory_space<vmem>>) target_semaphore(%run_scoped3A : memref<!tpu.dma_semaphore, #tpu.memory_space<semaphore_mem>>)
      tpu.wait_dma2 semaphore(%run_scoped3A : memref<!tpu.dma_semaphore, #tpu.memory_space<semaphore_mem>>) src(%arg3 : memref<8x4096xf32, #tpu.memory_space<hbm>>) dst(%arg7 : memref<8x4096xf32, #tpu.memory_space<vmem>>)
      tpu.yield
    }) : () -> ()
    "tpu.region"() ({
      %run_scoped3A = tpu.sem_alloc : memref<!tpu.dma_semaphore, #tpu.memory_space<semaphore_mem>>
      tpu.enqueue_dma source(%arg4 : memref<16xf32, #tpu.memory_space<hbm>>) target(%arg8 : memref<16xf32, #tpu.memory_space<vmem>>) target_semaphore(%run_scoped3A : memref<!tpu.dma_semaphore, #tpu.memory_space<semaphore_mem>>)
      tpu.wait_dma2 semaphore(%run_scoped3A : memref<!tpu.dma_semaphore, #tpu.memory_space<semaphore_mem>>) src(%arg4 : memref<16xf32, #tpu.memory_space<hbm>>) dst(%arg8 : memref<16xf32, #tpu.memory_space<vmem>>)
      tpu.yield
    }) : () -> ()
    %broadcast_in_dim3A = arith.constant 0.000000e+00 : f32
    %broadcast_in_dim3A_1 = vector.broadcast %broadcast_in_dim3A : f32 to vector<16xf32>
    %scan3A = arith.constant 0 : i32
    %scan3A_2 = arith.constant 256 : i32
    %scan3A_3 = arith.addi %scan3A, %scan3A_2 : i32
    %scan3A_4 = arith.constant 1 : i32
    %scan3A_5:8 = scf.for %scan3A_516 = %scan3A to %scan3A_3 step %scan3A_4 iter_args(%scan3A_517 = %broadcast_in_dim3A_1, %scan3A_518 = %broadcast_in_dim3A_1, %scan3A_519 = %broadcast_in_dim3A_1, %scan3A_520 = %broadcast_in_dim3A_1, %scan3A_521 = %broadcast_in_dim3A_1, %scan3A_522 = %broadcast_in_dim3A_1, %scan3A_523 = %broadcast_in_dim3A_1, %scan3A_524 = %broadcast_in_dim3A_1) -> (vector<16xf32>, vector<16xf32>, vector<16xf32>, vector<16xf32>, vector<16xf32>, vector<16xf32>, vector<16xf32>, vector<16xf32>)  : i32 {
      %mul3A_525 = arith.constant 16 : i32
      %mul3A_526 = arith.muli %scan3A_516, %mul3A_525 : i32
      %get3A_527 = arith.index_cast %mul3A_526 : i32 to index
      %get3A_528 = tpu.vector_load %arg6[%get3A_527] {strides = array<i32>} : memref<4096xf32, #tpu.memory_space<vmem>>, vector<16xf32>,
      %get3A_529 = vector.shape_cast %get3A_528 : vector<16xf32> to vector<16xf32>
      %mul3A_530 = arith.constant 16 : i32
      %mul3A_531 = arith.muli %scan3A_516, %mul3A_530 : i32
      %get3A_532 = arith.constant 0 : i32
      %get3A_533 = arith.index_cast %get3A_532 : i32 to index
      %get3A_534 = arith.index_cast %mul3A_531 : i32 to index
      %get3A_535 = tpu.vector_load %arg7[%get3A_533, %get3A_534] {strides = array<i32>} : memref<8x4096xf32, #tpu.memory_space<vmem>>, vector<1x16xf32>,
      %get3A_536 = vector.shape_cast %get3A_535 : vector<1x16xf32> to vector<16xf32>
      %mul3A_537 = arith.mulf %get3A_529, %get3A_536 : vector<16xf32>
      %add3A_538 = arith.addf %scan3A_517, %mul3A_537 : vector<16xf32>
      %mul3A_539 = arith.constant 16 : i32
      %mul3A_540 = arith.muli %scan3A_516, %mul3A_539 : i32
      %get3A_541 = arith.constant 1 : i32
      %get3A_542 = arith.index_cast %get3A_541 : i32 to index
      %get3A_543 = arith.index_cast %mul3A_540 : i32 to index
      %get3A_544 = tpu.vector_load %arg7[%get3A_542, %get3A_543] {strides = array<i32>} : memref<8x4096xf32, #tpu.memory_space<vmem>>, vector<1x16xf32>,
      %get3A_545 = vector.shape_cast %get3A_544 : vector<1x16xf32> to vector<16xf32>
      %mul3A_546 = arith.mulf %get3A_529, %get3A_545 : vector<16xf32>
      %add3A_547 = arith.addf %scan3A_518, %mul3A_546 : vector<16xf32>
      %mul3A_548 = arith.constant 16 : i32
      %mul3A_549 = arith.muli %scan3A_516, %mul3A_548 : i32
      %get3A_550 = arith.constant 2 : i32
      %get3A_551 = arith.index_cast %get3A_550 : i32 to index
      %get3A_552 = arith.index_cast %mul3A_549 : i32 to index
      %get3A_553 = tpu.vector_load %arg7[%get3A_551, %get3A_552] {strides = array<i32>} : memref<8x4096xf32, #tpu.memory_space<vmem>>, vector<1x16xf32>,
      %get3A_554 = vector.shape_cast %get3A_553 : vector<1x16xf32> to vector<16xf32>
      %mul3A_555 = arith.mulf %get3A_529, %get3A_554 : vector<16xf32>
      %add3A_556 = arith.addf %scan3A_519, %mul3A_555 : vector<16xf32>
      %mul3A_557 = arith.constant 16 : i32
      %mul3A_558 = arith.muli %scan3A_516, %mul3A_557 : i32
      %get3A_559 = arith.constant 3 : i32
      %get3A_560 = arith.index_cast %get3A_559 : i32 to index
      %get3A_561 = arith.index_cast %mul3A_558 : i32 to index
      %get3A_562 = tpu.vector_load %arg7[%get3A_560, %get3A_561] {strides = array<i32>} : memref<8x4096xf32, #tpu.memory_space<vmem>>, vector<1x16xf32>,
      %get3A_563 = vector.shape_cast %get3A_562 : vector<1x16xf32> to vector<16xf32>
      %mul3A_564 = arith.mulf %get3A_529, %get3A_563 : vector<16xf32>
      %add3A_565 = arith.addf %scan3A_520, %mul3A_564 : vector<16xf32>
      %mul3A_566 = arith.constant 16 : i32
      %mul3A_567 = arith.muli %scan3A_516, %mul3A_566 : i32
      %get3A_568 = arith.constant 4 : i32
      %get3A_569 = arith.index_cast %get3A_568 : i32 to index
      %get3A_570 = arith.index_cast %mul3A_567 : i32 to index
      %get3A_571 = tpu.vector_load %arg7[%get3A_569, %get3A_570] {strides = array<i32>} : memref<8x4096xf32, #tpu.memory_space<vmem>>, vector<1x16xf32>,
      %get3A_572 = vector.shape_cast %get3A_571 : vector<1x16xf32> to vector<16xf32>
      %mul3A_573 = arith.mulf %get3A_529, %get3A_572 : vector<16xf32>
      %add3A_574 = arith.addf %scan3A_521, %mul3A_573 : vector<16xf32>
      %mul3A_575 = arith.constant 16 : i32
      %mul3A_576 = arith.muli %scan3A_516, %mul3A_575 : i32
      %get3A_577 = arith.constant 5 : i32
      %get3A_578 = arith.index_cast %get3A_577 : i32 to index
      %get3A_579 = arith.index_cast %mul3A_576 : i32 to index
      %get3A_580 = tpu.vector_load %arg7[%get3A_578, %get3A_579] {strides = array<i32>} : memref<8x4096xf32, #tpu.memory_space<vmem>>, vector<1x16xf32>,
      %get3A_581 = vector.shape_cast %get3A_580 : vector<1x16xf32> to vector<16xf32>
      %mul3A_582 = arith.mulf %get3A_529, %get3A_581 : vector<16xf32>
      %add3A_583 = arith.addf %scan3A_522, %mul3A_582 : vector<16xf32>
      %mul3A_584 = arith.constant 16 : i32
      %mul3A_585 = arith.muli %scan3A_516, %mul3A_584 : i32
      %get3A_586 = arith.constant 6 : i32
      %get3A_587 = arith.index_cast %get3A_586 : i32 to index
      %get3A_588 = arith.index_cast %mul3A_585 : i32 to index
      %get3A_589 = tpu.vector_load %arg7[%get3A_587, %get3A_588] {strides = array<i32>} : memref<8x4096xf32, #tpu.memory_space<vmem>>, vector<1x16xf32>,
      %get3A_590 = vector.shape_cast %get3A_589 : vector<1x16xf32> to vector<16xf32>
      %mul3A_591 = arith.mulf %get3A_529, %get3A_590 : vector<16xf32>
      %add3A_592 = arith.addf %scan3A_523, %mul3A_591 : vector<16xf32>
      %mul3A_593 = arith.constant 16 : i32
      %mul3A_594 = arith.muli %scan3A_516, %mul3A_593 : i32
      %get3A_595 = arith.constant 7 : i32
      %get3A_596 = arith.index_cast %get3A_595 : i32 to index
      %get3A_597 = arith.index_cast %mul3A_594 : i32 to index
      %get3A_598 = tpu.vector_load %arg7[%get3A_596, %get3A_597] {strides = array<i32>} : memref<8x4096xf32, #tpu.memory_space<vmem>>, vector<1x16xf32>,
      %get3A_599 = vector.shape_cast %get3A_598 : vector<1x16xf32> to vector<16xf32>
      %mul3A_600 = arith.mulf %get3A_529, %get3A_599 : vector<16xf32>
      %add3A_601 = arith.addf %scan3A_524, %mul3A_600 : vector<16xf32>
      scf.yield %add3A_538, %add3A_547, %add3A_556, %add3A_565, %add3A_574, %add3A_583, %add3A_592, %add3A_601 : vector<16xf32>, vector<16xf32>, vector<16xf32>, vector<16xf32>, vector<16xf32>, vector<16xf32>, vector<16xf32>, vector<16xf32>
    }
    %scan3A_6 = arith.constant 256 : i32
    %slice3A = vector.extract_strided_slice %scan3A_5#0 {offsets = [0], sizes = [1], strides = [1]} : vector<16xf32> to vector<1xf32>
    %squeeze3A = vector.extract %slice3A[0] : f32 from vector<1xf32>
    %slice3A_7 = vector.extract_strided_slice %scan3A_5#0 {offsets = [1], sizes = [1], strides = [1]} : vector<16xf32> to vector<1xf32>
    %squeeze3A_8 = vector.extract %slice3A_7[0] : f32 from vector<1xf32>
    %add3A_9 = arith.addf %squeeze3A, %squeeze3A_8 : f32
    %slice3A_10 = vector.extract_strided_slice %scan3A_5#0 {offsets = [2], sizes = [1], strides = [1]} : vector<16xf32> to vector<1xf32>
    %squeeze3A_11 = vector.extract %slice3A_10[0] : f32 from vector<1xf32>
    %add3A_12 = arith.addf %add3A_9, %squeeze3A_11 : f32
    %slice3A_13 = vector.extract_strided_slice %scan3A_5#0 {offsets = [3], sizes = [1], strides = [1]} : vector<16xf32> to vector<1xf32>
    %squeeze3A_14 = vector.extract %slice3A_13[0] : f32 from vector<1xf32>
    %add3A_15 = arith.addf %add3A_12, %squeeze3A_14 : f32
    %slice3A_16 = vector.extract_strided_slice %scan3A_5#0 {offsets = [4], sizes = [1], strides = [1]} : vector<16xf32> to vector<1xf32>
    %squeeze3A_17 = vector.extract %slice3A_16[0] : f32 from vector<1xf32>
    %add3A_18 = arith.addf %add3A_15, %squeeze3A_17 : f32
    %slice3A_19 = vector.extract_strided_slice %scan3A_5#0 {offsets = [5], sizes = [1], strides = [1]} : vector<16xf32> to vector<1xf32>
    %squeeze3A_20 = vector.extract %slice3A_19[0] : f32 from vector<1xf32>
    %add3A_21 = arith.addf %add3A_18, %squeeze3A_20 : f32
    %slice3A_22 = vector.extract_strided_slice %scan3A_5#0 {offsets = [6], sizes = [1], strides = [1]} : vector<16xf32> to vector<1xf32>
    %squeeze3A_23 = vector.extract %slice3A_22[0] : f32 from vector<1xf32>
    %add3A_24 = arith.addf %add3A_21, %squeeze3A_23 : f32
    %slice3A_25 = vector.extract_strided_slice %scan3A_5#0 {offsets = [7], sizes = [1], strides = [1]} : vector<16xf32> to vector<1xf32>
    %squeeze3A_26 = vector.extract %slice3A_25[0] : f32 from vector<1xf32>
    %add3A_27 = arith.addf %add3A_24, %squeeze3A_26 : f32
    %slice3A_28 = vector.extract_strided_slice %scan3A_5#0 {offsets = [8], sizes = [1], strides = [1]} : vector<16xf32> to vector<1xf32>
    %squeeze3A_29 = vector.extract %slice3A_28[0] : f32 from vector<1xf32>
    %add3A_30 = arith.addf %add3A_27, %squeeze3A_29 : f32
    %slice3A_31 = vector.extract_strided_slice %scan3A_5#0 {offsets = [9], sizes = [1], strides = [1]} : vector<16xf32> to vector<1xf32>
    %squeeze3A_32 = vector.extract %slice3A_31[0] : f32 from vector<1xf32>
    %add3A_33 = arith.addf %add3A_30, %squeeze3A_32 : f32
    %slice3A_34 = vector.extract_strided_slice %scan3A_5#0 {offsets = [10], sizes = [1], strides = [1]} : vector<16xf32> to vector<1xf32>
    %squeeze3A_35 = vector.extract %slice3A_34[0] : f32 from vector<1xf32>
    %add3A_36 = arith.addf %add3A_33, %squeeze3A_35 : f32
    %slice3A_37 = vector.extract_strided_slice %scan3A_5#0 {offsets = [11], sizes = [1], strides = [1]} : vector<16xf32> to vector<1xf32>
    %squeeze3A_38 = vector.extract %slice3A_37[0] : f32 from vector<1xf32>
    %add3A_39 = arith.addf %add3A_36, %squeeze3A_38 : f32
    %slice3A_40 = vector.extract_strided_slice %scan3A_5#0 {offsets = [12], sizes = [1], strides = [1]} : vector<16xf32> to vector<1xf32>
    %squeeze3A_41 = vector.extract %slice3A_40[0] : f32 from vector<1xf32>
    %add3A_42 = arith.addf %add3A_39, %squeeze3A_41 : f32
    %slice3A_43 = vector.extract_strided_slice %scan3A_5#0 {offsets = [13], sizes = [1], strides = [1]} : vector<16xf32> to vector<1xf32>
    %squeeze3A_44 = vector.extract %slice3A_43[0] : f32 from vector<1xf32>
    %add3A_45 = arith.addf %add3A_42, %squeeze3A_44 : f32
    %slice3A_46 = vector.extract_strided_slice %scan3A_5#0 {offsets = [14], sizes = [1], strides = [1]} : vector<16xf32> to vector<1xf32>
    %squeeze3A_47 = vector.extract %slice3A_46[0] : f32 from vector<1xf32>
    %add3A_48 = arith.addf %add3A_45, %squeeze3A_47 : f32
    %slice3A_49 = vector.extract_strided_slice %scan3A_5#0 {offsets = [15], sizes = [1], strides = [1]} : vector<16xf32> to vector<1xf32>
    %squeeze3A_50 = vector.extract %slice3A_49[0] : f32 from vector<1xf32>
    %add3A_51 = arith.addf %add3A_48, %squeeze3A_50 : f32
    %slice3A_52 = vector.extract_strided_slice %scan3A_5#1 {offsets = [0], sizes = [1], strides = [1]} : vector<16xf32> to vector<1xf32>
    %squeeze3A_53 = vector.extract %slice3A_52[0] : f32 from vector<1xf32>
    %slice3A_54 = vector.extract_strided_slice %scan3A_5#1 {offsets = [1], sizes = [1], strides = [1]} : vector<16xf32> to vector<1xf32>
    %squeeze3A_55 = vector.extract %slice3A_54[0] : f32 from vector<1xf32>
    %add3A_56 = arith.addf %squeeze3A_53, %squeeze3A_55 : f32
    %slice3A_57 = vector.extract_strided_slice %scan3A_5#1 {offsets = [2], sizes = [1], strides = [1]} : vector<16xf32> to vector<1xf32>
    %squeeze3A_58 = vector.extract %slice3A_57[0] : f32 from vector<1xf32>
    %add3A_59 = arith.addf %add3A_56, %squeeze3A_58 : f32
    %slice3A_60 = vector.extract_strided_slice %scan3A_5#1 {offsets = [3], sizes = [1], strides = [1]} : vector<16xf32> to vector<1xf32>
    %squeeze3A_61 = vector.extract %slice3A_60[0] : f32 from vector<1xf32>
    %add3A_62 = arith.addf %add3A_59, %squeeze3A_61 : f32
    %slice3A_63 = vector.extract_strided_slice %scan3A_5#1 {offsets = [4], sizes = [1], strides = [1]} : vector<16xf32> to vector<1xf32>
    %squeeze3A_64 = vector.extract %slice3A_63[0] : f32 from vector<1xf32>
    %add3A_65 = arith.addf %add3A_62, %squeeze3A_64 : f32
    %slice3A_66 = vector.extract_strided_slice %scan3A_5#1 {offsets = [5], sizes = [1], strides = [1]} : vector<16xf32> to vector<1xf32>
    %squeeze3A_67 = vector.extract %slice3A_66[0] : f32 from vector<1xf32>
    %add3A_68 = arith.addf %add3A_65, %squeeze3A_67 : f32
    %slice3A_69 = vector.extract_strided_slice %scan3A_5#1 {offsets = [6], sizes = [1], strides = [1]} : vector<16xf32> to vector<1xf32>
    %squeeze3A_70 = vector.extract %slice3A_69[0] : f32 from vector<1xf32>
    %add3A_71 = arith.addf %add3A_68, %squeeze3A_70 : f32
    %slice3A_72 = vector.extract_strided_slice %scan3A_5#1 {offsets = [7], sizes = [1], strides = [1]} : vector<16xf32> to vector<1xf32>
    %squeeze3A_73 = vector.extract %slice3A_72[0] : f32 from vector<1xf32>
    %add3A_74 = arith.addf %add3A_71, %squeeze3A_73 : f32
    %slice3A_75 = vector.extract_strided_slice %scan3A_5#1 {offsets = [8], sizes = [1], strides = [1]} : vector<16xf32> to vector<1xf32>
    %squeeze3A_76 = vector.extract %slice3A_75[0] : f32 from vector<1xf32>
    %add3A_77 = arith.addf %add3A_74, %squeeze3A_76 : f32
    %slice3A_78 = vector.extract_strided_slice %scan3A_5#1 {offsets = [9], sizes = [1], strides = [1]} : vector<16xf32> to vector<1xf32>
    %squeeze3A_79 = vector.extract %slice3A_78[0] : f32 from vector<1xf32>
    %add3A_80 = arith.addf %add3A_77, %squeeze3A_79 : f32
    %slice3A_81 = vector.extract_strided_slice %scan3A_5#1 {offsets = [10], sizes = [1], strides = [1]} : vector<16xf32> to vector<1xf32>
    %squeeze3A_82 = vector.extract %slice3A_81[0] : f32 from vector<1xf32>
    %add3A_83 = arith.addf %add3A_80, %squeeze3A_82 : f32
    %slice3A_84 = vector.extract_strided_slice %scan3A_5#1 {offsets = [11], sizes = [1], strides = [1]} : vector<16xf32> to vector<1xf32>
    %squeeze3A_85 = vector.extract %slice3A_84[0] : f32 from vector<1xf32>
    %add3A_86 = arith.addf %add3A_83, %squeeze3A_85 : f32
    %slice3A_87 = vector.extract_strided_slice %scan3A_5#1 {offsets = [12], sizes = [1], strides = [1]} : vector<16xf32> to vector<1xf32>
    %squeeze3A_88 = vector.extract %slice3A_87[0] : f32 from vector<1xf32>
    %add3A_89 = arith.addf %add3A_86, %squeeze3A_88 : f32
    %slice3A_90 = vector.extract_strided_slice %scan3A_5#1 {offsets = [13], sizes = [1], strides = [1]} : vector<16xf32> to vector<1xf32>
    %squeeze3A_91 = vector.extract %slice3A_90[0] : f32 from vector<1xf32>
    %add3A_92 = arith.addf %add3A_89, %squeeze3A_91 : f32
    %slice3A_93 = vector.extract_strided_slice %scan3A_5#1 {offsets = [14], sizes = [1], strides = [1]} : vector<16xf32> to vector<1xf32>
    %squeeze3A_94 = vector.extract %slice3A_93[0] : f32 from vector<1xf32>
    %add3A_95 = arith.addf %add3A_92, %squeeze3A_94 : f32
    %slice3A_96 = vector.extract_strided_slice %scan3A_5#1 {offsets = [15], sizes = [1], strides = [1]} : vector<16xf32> to vector<1xf32>
    %squeeze3A_97 = vector.extract %slice3A_96[0] : f32 from vector<1xf32>
    %add3A_98 = arith.addf %add3A_95, %squeeze3A_97 : f32
    %slice3A_99 = vector.extract_strided_slice %scan3A_5#2 {offsets = [0], sizes = [1], strides = [1]} : vector<16xf32> to vector<1xf32>
    %squeeze3A_100 = vector.extract %slice3A_99[0] : f32 from vector<1xf32>
    %slice3A_101 = vector.extract_strided_slice %scan3A_5#2 {offsets = [1], sizes = [1], strides = [1]} : vector<16xf32> to vector<1xf32>
    %squeeze3A_102 = vector.extract %slice3A_101[0] : f32 from vector<1xf32>
    %add3A_103 = arith.addf %squeeze3A_100, %squeeze3A_102 : f32
    %slice3A_104 = vector.extract_strided_slice %scan3A_5#2 {offsets = [2], sizes = [1], strides = [1]} : vector<16xf32> to vector<1xf32>
    %squeeze3A_105 = vector.extract %slice3A_104[0] : f32 from vector<1xf32>
    %add3A_106 = arith.addf %add3A_103, %squeeze3A_105 : f32
    %slice3A_107 = vector.extract_strided_slice %scan3A_5#2 {offsets = [3], sizes = [1], strides = [1]} : vector<16xf32> to vector<1xf32>
    %squeeze3A_108 = vector.extract %slice3A_107[0] : f32 from vector<1xf32>
    %add3A_109 = arith.addf %add3A_106, %squeeze3A_108 : f32
    %slice3A_110 = vector.extract_strided_slice %scan3A_5#2 {offsets = [4], sizes = [1], strides = [1]} : vector<16xf32> to vector<1xf32>
    %squeeze3A_111 = vector.extract %slice3A_110[0] : f32 from vector<1xf32>
    %add3A_112 = arith.addf %add3A_109, %squeeze3A_111 : f32
    %slice3A_113 = vector.extract_strided_slice %scan3A_5#2 {offsets = [5], sizes = [1], strides = [1]} : vector<16xf32> to vector<1xf32>
    %squeeze3A_114 = vector.extract %slice3A_113[0] : f32 from vector<1xf32>
    %add3A_115 = arith.addf %add3A_112, %squeeze3A_114 : f32
    %slice3A_116 = vector.extract_strided_slice %scan3A_5#2 {offsets = [6], sizes = [1], strides = [1]} : vector<16xf32> to vector<1xf32>
    %squeeze3A_117 = vector.extract %slice3A_116[0] : f32 from vector<1xf32>
    %add3A_118 = arith.addf %add3A_115, %squeeze3A_117 : f32
    %slice3A_119 = vector.extract_strided_slice %scan3A_5#2 {offsets = [7], sizes = [1], strides = [1]} : vector<16xf32> to vector<1xf32>
    %squeeze3A_120 = vector.extract %slice3A_119[0] : f32 from vector<1xf32>
    %add3A_121 = arith.addf %add3A_118, %squeeze3A_120 : f32
    %slice3A_122 = vector.extract_strided_slice %scan3A_5#2 {offsets = [8], sizes = [1], strides = [1]} : vector<16xf32> to vector<1xf32>
    %squeeze3A_123 = vector.extract %slice3A_122[0] : f32 from vector<1xf32>
    %add3A_124 = arith.addf %add3A_121, %squeeze3A_123 : f32
    %slice3A_125 = vector.extract_strided_slice %scan3A_5#2 {offsets = [9], sizes = [1], strides = [1]} : vector<16xf32> to vector<1xf32>
    %squeeze3A_126 = vector.extract %slice3A_125[0] : f32 from vector<1xf32>
    %add3A_127 = arith.addf %add3A_124, %squeeze3A_126 : f32
    %slice3A_128 = vector.extract_strided_slice %scan3A_5#2 {offsets = [10], sizes = [1], strides = [1]} : vector<16xf32> to vector<1xf32>
    %squeeze3A_129 = vector.extract %slice3A_128[0] : f32 from vector<1xf32>
    %add3A_130 = arith.addf %add3A_127, %squeeze3A_129 : f32
    %slice3A_131 = vector.extract_strided_slice %scan3A_5#2 {offsets = [11], sizes = [1], strides = [1]} : vector<16xf32> to vector<1xf32>
    %squeeze3A_132 = vector.extract %slice3A_131[0] : f32 from vector<1xf32>
    %add3A_133 = arith.addf %add3A_130, %squeeze3A_132 : f32
    %slice3A_134 = vector.extract_strided_slice %scan3A_5#2 {offsets = [12], sizes = [1], strides = [1]} : vector<16xf32> to vector<1xf32>
    %squeeze3A_135 = vector.extract %slice3A_134[0] : f32 from vector<1xf32>
    %add3A_136 = arith.addf %add3A_133, %squeeze3A_135 : f32
    %slice3A_137 = vector.extract_strided_slice %scan3A_5#2 {offsets = [13], sizes = [1], strides = [1]} : vector<16xf32> to vector<1xf32>
    %squeeze3A_138 = vector.extract %slice3A_137[0] : f32 from vector<1xf32>
    %add3A_139 = arith.addf %add3A_136, %squeeze3A_138 : f32
    %slice3A_140 = vector.extract_strided_slice %scan3A_5#2 {offsets = [14], sizes = [1], strides = [1]} : vector<16xf32> to vector<1xf32>
    %squeeze3A_141 = vector.extract %slice3A_140[0] : f32 from vector<1xf32>
    %add3A_142 = arith.addf %add3A_139, %squeeze3A_141 : f32
    %slice3A_143 = vector.extract_strided_slice %scan3A_5#2 {offsets = [15], sizes = [1], strides = [1]} : vector<16xf32> to vector<1xf32>
    %squeeze3A_144 = vector.extract %slice3A_143[0] : f32 from vector<1xf32>
    %add3A_145 = arith.addf %add3A_142, %squeeze3A_144 : f32
    %slice3A_146 = vector.extract_strided_slice %scan3A_5#3 {offsets = [0], sizes = [1], strides = [1]} : vector<16xf32> to vector<1xf32>
    %squeeze3A_147 = vector.extract %slice3A_146[0] : f32 from vector<1xf32>
    %slice3A_148 = vector.extract_strided_slice %scan3A_5#3 {offsets = [1], sizes = [1], strides = [1]} : vector<16xf32> to vector<1xf32>
    %squeeze3A_149 = vector.extract %slice3A_148[0] : f32 from vector<1xf32>
    %add3A_150 = arith.addf %squeeze3A_147, %squeeze3A_149 : f32
    %slice3A_151 = vector.extract_strided_slice %scan3A_5#3 {offsets = [2], sizes = [1], strides = [1]} : vector<16xf32> to vector<1xf32>
    %squeeze3A_152 = vector.extract %slice3A_151[0] : f32 from vector<1xf32>
    %add3A_153 = arith.addf %add3A_150, %squeeze3A_152 : f32
    %slice3A_154 = vector.extract_strided_slice %scan3A_5#3 {offsets = [3], sizes = [1], strides = [1]} : vector<16xf32> to vector<1xf32>
    %squeeze3A_155 = vector.extract %slice3A_154[0] : f32 from vector<1xf32>
    %add3A_156 = arith.addf %add3A_153, %squeeze3A_155 : f32
    %slice3A_157 = vector.extract_strided_slice %scan3A_5#3 {offsets = [4], sizes = [1], strides = [1]} : vector<16xf32> to vector<1xf32>
    %squeeze3A_158 = vector.extract %slice3A_157[0] : f32 from vector<1xf32>
    %add3A_159 = arith.addf %add3A_156, %squeeze3A_158 : f32
    %slice3A_160 = vector.extract_strided_slice %scan3A_5#3 {offsets = [5], sizes = [1], strides = [1]} : vector<16xf32> to vector<1xf32>
    %squeeze3A_161 = vector.extract %slice3A_160[0] : f32 from vector<1xf32>
    %add3A_162 = arith.addf %add3A_159, %squeeze3A_161 : f32
    %slice3A_163 = vector.extract_strided_slice %scan3A_5#3 {offsets = [6], sizes = [1], strides = [1]} : vector<16xf32> to vector<1xf32>
    %squeeze3A_164 = vector.extract %slice3A_163[0] : f32 from vector<1xf32>
    %add3A_165 = arith.addf %add3A_162, %squeeze3A_164 : f32
    %slice3A_166 = vector.extract_strided_slice %scan3A_5#3 {offsets = [7], sizes = [1], strides = [1]} : vector<16xf32> to vector<1xf32>
    %squeeze3A_167 = vector.extract %slice3A_166[0] : f32 from vector<1xf32>
    %add3A_168 = arith.addf %add3A_165, %squeeze3A_167 : f32
    %slice3A_169 = vector.extract_strided_slice %scan3A_5#3 {offsets = [8], sizes = [1], strides = [1]} : vector<16xf32> to vector<1xf32>
    %squeeze3A_170 = vector.extract %slice3A_169[0] : f32 from vector<1xf32>
    %add3A_171 = arith.addf %add3A_168, %squeeze3A_170 : f32
    %slice3A_172 = vector.extract_strided_slice %scan3A_5#3 {offsets = [9], sizes = [1], strides = [1]} : vector<16xf32> to vector<1xf32>
    %squeeze3A_173 = vector.extract %slice3A_172[0] : f32 from vector<1xf32>
    %add3A_174 = arith.addf %add3A_171, %squeeze3A_173 : f32
    %slice3A_175 = vector.extract_strided_slice %scan3A_5#3 {offsets = [10], sizes = [1], strides = [1]} : vector<16xf32> to vector<1xf32>
    %squeeze3A_176 = vector.extract %slice3A_175[0] : f32 from vector<1xf32>
    %add3A_177 = arith.addf %add3A_174, %squeeze3A_176 : f32
    %slice3A_178 = vector.extract_strided_slice %scan3A_5#3 {offsets = [11], sizes = [1], strides = [1]} : vector<16xf32> to vector<1xf32>
    %squeeze3A_179 = vector.extract %slice3A_178[0] : f32 from vector<1xf32>
    %add3A_180 = arith.addf %add3A_177, %squeeze3A_179 : f32
    %slice3A_181 = vector.extract_strided_slice %scan3A_5#3 {offsets = [12], sizes = [1], strides = [1]} : vector<16xf32> to vector<1xf32>
    %squeeze3A_182 = vector.extract %slice3A_181[0] : f32 from vector<1xf32>
    %add3A_183 = arith.addf %add3A_180, %squeeze3A_182 : f32
    %slice3A_184 = vector.extract_strided_slice %scan3A_5#3 {offsets = [13], sizes = [1], strides = [1]} : vector<16xf32> to vector<1xf32>
    %squeeze3A_185 = vector.extract %slice3A_184[0] : f32 from vector<1xf32>
    %add3A_186 = arith.addf %add3A_183, %squeeze3A_185 : f32
    %slice3A_187 = vector.extract_strided_slice %scan3A_5#3 {offsets = [14], sizes = [1], strides = [1]} : vector<16xf32> to vector<1xf32>
    %squeeze3A_188 = vector.extract %slice3A_187[0] : f32 from vector<1xf32>
    %add3A_189 = arith.addf %add3A_186, %squeeze3A_188 : f32
    %slice3A_190 = vector.extract_strided_slice %scan3A_5#3 {offsets = [15], sizes = [1], strides = [1]} : vector<16xf32> to vector<1xf32>
    %squeeze3A_191 = vector.extract %slice3A_190[0] : f32 from vector<1xf32>
    %add3A_192 = arith.addf %add3A_189, %squeeze3A_191 : f32
    %slice3A_193 = vector.extract_strided_slice %scan3A_5#4 {offsets = [0], sizes = [1], strides = [1]} : vector<16xf32> to vector<1xf32>
    %squeeze3A_194 = vector.extract %slice3A_193[0] : f32 from vector<1xf32>
    %slice3A_195 = vector.extract_strided_slice %scan3A_5#4 {offsets = [1], sizes = [1], strides = [1]} : vector<16xf32> to vector<1xf32>
    %squeeze3A_196 = vector.extract %slice3A_195[0] : f32 from vector<1xf32>
    %add3A_197 = arith.addf %squeeze3A_194, %squeeze3A_196 : f32
    %slice3A_198 = vector.extract_strided_slice %scan3A_5#4 {offsets = [2], sizes = [1], strides = [1]} : vector<16xf32> to vector<1xf32>
    %squeeze3A_199 = vector.extract %slice3A_198[0] : f32 from vector<1xf32>
    %add3A_200 = arith.addf %add3A_197, %squeeze3A_199 : f32
    %slice3A_201 = vector.extract_strided_slice %scan3A_5#4 {offsets = [3], sizes = [1], strides = [1]} : vector<16xf32> to vector<1xf32>
    %squeeze3A_202 = vector.extract %slice3A_201[0] : f32 from vector<1xf32>
    %add3A_203 = arith.addf %add3A_200, %squeeze3A_202 : f32
    %slice3A_204 = vector.extract_strided_slice %scan3A_5#4 {offsets = [4], sizes = [1], strides = [1]} : vector<16xf32> to vector<1xf32>
    %squeeze3A_205 = vector.extract %slice3A_204[0] : f32 from vector<1xf32>
    %add3A_206 = arith.addf %add3A_203, %squeeze3A_205 : f32
    %slice3A_207 = vector.extract_strided_slice %scan3A_5#4 {offsets = [5], sizes = [1], strides = [1]} : vector<16xf32> to vector<1xf32>
    %squeeze3A_208 = vector.extract %slice3A_207[0] : f32 from vector<1xf32>
    %add3A_209 = arith.addf %add3A_206, %squeeze3A_208 : f32
    %slice3A_210 = vector.extract_strided_slice %scan3A_5#4 {offsets = [6], sizes = [1], strides = [1]} : vector<16xf32> to vector<1xf32>
    %squeeze3A_211 = vector.extract %slice3A_210[0] : f32 from vector<1xf32>
    %add3A_212 = arith.addf %add3A_209, %squeeze3A_211 : f32
    %slice3A_213 = vector.extract_strided_slice %scan3A_5#4 {offsets = [7], sizes = [1], strides = [1]} : vector<16xf32> to vector<1xf32>
    %squeeze3A_214 = vector.extract %slice3A_213[0] : f32 from vector<1xf32>
    %add3A_215 = arith.addf %add3A_212, %squeeze3A_214 : f32
    %slice3A_216 = vector.extract_strided_slice %scan3A_5#4 {offsets = [8], sizes = [1], strides = [1]} : vector<16xf32> to vector<1xf32>
    %squeeze3A_217 = vector.extract %slice3A_216[0] : f32 from vector<1xf32>
    %add3A_218 = arith.addf %add3A_215, %squeeze3A_217 : f32
    %slice3A_219 = vector.extract_strided_slice %scan3A_5#4 {offsets = [9], sizes = [1], strides = [1]} : vector<16xf32> to vector<1xf32>
    %squeeze3A_220 = vector.extract %slice3A_219[0] : f32 from vector<1xf32>
    %add3A_221 = arith.addf %add3A_218, %squeeze3A_220 : f32
    %slice3A_222 = vector.extract_strided_slice %scan3A_5#4 {offsets = [10], sizes = [1], strides = [1]} : vector<16xf32> to vector<1xf32>
    %squeeze3A_223 = vector.extract %slice3A_222[0] : f32 from vector<1xf32>
    %add3A_224 = arith.addf %add3A_221, %squeeze3A_223 : f32
    %slice3A_225 = vector.extract_strided_slice %scan3A_5#4 {offsets = [11], sizes = [1], strides = [1]} : vector<16xf32> to vector<1xf32>
    %squeeze3A_226 = vector.extract %slice3A_225[0] : f32 from vector<1xf32>
    %add3A_227 = arith.addf %add3A_224, %squeeze3A_226 : f32
    %slice3A_228 = vector.extract_strided_slice %scan3A_5#4 {offsets = [12], sizes = [1], strides = [1]} : vector<16xf32> to vector<1xf32>
    %squeeze3A_229 = vector.extract %slice3A_228[0] : f32 from vector<1xf32>
    %add3A_230 = arith.addf %add3A_227, %squeeze3A_229 : f32
    %slice3A_231 = vector.extract_strided_slice %scan3A_5#4 {offsets = [13], sizes = [1], strides = [1]} : vector<16xf32> to vector<1xf32>
    %squeeze3A_232 = vector.extract %slice3A_231[0] : f32 from vector<1xf32>
    %add3A_233 = arith.addf %add3A_230, %squeeze3A_232 : f32
    %slice3A_234 = vector.extract_strided_slice %scan3A_5#4 {offsets = [14], sizes = [1], strides = [1]} : vector<16xf32> to vector<1xf32>
    %squeeze3A_235 = vector.extract %slice3A_234[0] : f32 from vector<1xf32>
    %add3A_236 = arith.addf %add3A_233, %squeeze3A_235 : f32
    %slice3A_237 = vector.extract_strided_slice %scan3A_5#4 {offsets = [15], sizes = [1], strides = [1]} : vector<16xf32> to vector<1xf32>
    %squeeze3A_238 = vector.extract %slice3A_237[0] : f32 from vector<1xf32>
    %add3A_239 = arith.addf %add3A_236, %squeeze3A_238 : f32
    %slice3A_240 = vector.extract_strided_slice %scan3A_5#5 {offsets = [0], sizes = [1], strides = [1]} : vector<16xf32> to vector<1xf32>
    %squeeze3A_241 = vector.extract %slice3A_240[0] : f32 from vector<1xf32>
    %slice3A_242 = vector.extract_strided_slice %scan3A_5#5 {offsets = [1], sizes = [1], strides = [1]} : vector<16xf32> to vector<1xf32>
    %squeeze3A_243 = vector.extract %slice3A_242[0] : f32 from vector<1xf32>
    %add3A_244 = arith.addf %squeeze3A_241, %squeeze3A_243 : f32
    %slice3A_245 = vector.extract_strided_slice %scan3A_5#5 {offsets = [2], sizes = [1], strides = [1]} : vector<16xf32> to vector<1xf32>
    %squeeze3A_246 = vector.extract %slice3A_245[0] : f32 from vector<1xf32>
    %add3A_247 = arith.addf %add3A_244, %squeeze3A_246 : f32
    %slice3A_248 = vector.extract_strided_slice %scan3A_5#5 {offsets = [3], sizes = [1], strides = [1]} : vector<16xf32> to vector<1xf32>
    %squeeze3A_249 = vector.extract %slice3A_248[0] : f32 from vector<1xf32>
    %add3A_250 = arith.addf %add3A_247, %squeeze3A_249 : f32
    %slice3A_251 = vector.extract_strided_slice %scan3A_5#5 {offsets = [4], sizes = [1], strides = [1]} : vector<16xf32> to vector<1xf32>
    %squeeze3A_252 = vector.extract %slice3A_251[0] : f32 from vector<1xf32>
    %add3A_253 = arith.addf %add3A_250, %squeeze3A_252 : f32
    %slice3A_254 = vector.extract_strided_slice %scan3A_5#5 {offsets = [5], sizes = [1], strides = [1]} : vector<16xf32> to vector<1xf32>
    %squeeze3A_255 = vector.extract %slice3A_254[0] : f32 from vector<1xf32>
    %add3A_256 = arith.addf %add3A_253, %squeeze3A_255 : f32
    %slice3A_257 = vector.extract_strided_slice %scan3A_5#5 {offsets = [6], sizes = [1], strides = [1]} : vector<16xf32> to vector<1xf32>
    %squeeze3A_258 = vector.extract %slice3A_257[0] : f32 from vector<1xf32>
    %add3A_259 = arith.addf %add3A_256, %squeeze3A_258 : f32
    %slice3A_260 = vector.extract_strided_slice %scan3A_5#5 {offsets = [7], sizes = [1], strides = [1]} : vector<16xf32> to vector<1xf32>
    %squeeze3A_261 = vector.extract %slice3A_260[0] : f32 from vector<1xf32>
    %add3A_262 = arith.addf %add3A_259, %squeeze3A_261 : f32
    %slice3A_263 = vector.extract_strided_slice %scan3A_5#5 {offsets = [8], sizes = [1], strides = [1]} : vector<16xf32> to vector<1xf32>
    %squeeze3A_264 = vector.extract %slice3A_263[0] : f32 from vector<1xf32>
    %add3A_265 = arith.addf %add3A_262, %squeeze3A_264 : f32
    %slice3A_266 = vector.extract_strided_slice %scan3A_5#5 {offsets = [9], sizes = [1], strides = [1]} : vector<16xf32> to vector<1xf32>
    %squeeze3A_267 = vector.extract %slice3A_266[0] : f32 from vector<1xf32>
    %add3A_268 = arith.addf %add3A_265, %squeeze3A_267 : f32
    %slice3A_269 = vector.extract_strided_slice %scan3A_5#5 {offsets = [10], sizes = [1], strides = [1]} : vector<16xf32> to vector<1xf32>
    %squeeze3A_270 = vector.extract %slice3A_269[0] : f32 from vector<1xf32>
    %add3A_271 = arith.addf %add3A_268, %squeeze3A_270 : f32
    %slice3A_272 = vector.extract_strided_slice %scan3A_5#5 {offsets = [11], sizes = [1], strides = [1]} : vector<16xf32> to vector<1xf32>
    %squeeze3A_273 = vector.extract %slice3A_272[0] : f32 from vector<1xf32>
    %add3A_274 = arith.addf %add3A_271, %squeeze3A_273 : f32
    %slice3A_275 = vector.extract_strided_slice %scan3A_5#5 {offsets = [12], sizes = [1], strides = [1]} : vector<16xf32> to vector<1xf32>
    %squeeze3A_276 = vector.extract %slice3A_275[0] : f32 from vector<1xf32>
    %add3A_277 = arith.addf %add3A_274, %squeeze3A_276 : f32
    %slice3A_278 = vector.extract_strided_slice %scan3A_5#5 {offsets = [13], sizes = [1], strides = [1]} : vector<16xf32> to vector<1xf32>
    %squeeze3A_279 = vector.extract %slice3A_278[0] : f32 from vector<1xf32>
    %add3A_280 = arith.addf %add3A_277, %squeeze3A_279 : f32
    %slice3A_281 = vector.extract_strided_slice %scan3A_5#5 {offsets = [14], sizes = [1], strides = [1]} : vector<16xf32> to vector<1xf32>
    %squeeze3A_282 = vector.extract %slice3A_281[0] : f32 from vector<1xf32>
    %add3A_283 = arith.addf %add3A_280, %squeeze3A_282 : f32
    %slice3A_284 = vector.extract_strided_slice %scan3A_5#5 {offsets = [15], sizes = [1], strides = [1]} : vector<16xf32> to vector<1xf32>
    %squeeze3A_285 = vector.extract %slice3A_284[0] : f32 from vector<1xf32>
    %add3A_286 = arith.addf %add3A_283, %squeeze3A_285 : f32
    %slice3A_287 = vector.extract_strided_slice %scan3A_5#6 {offsets = [0], sizes = [1], strides = [1]} : vector<16xf32> to vector<1xf32>
    %squeeze3A_288 = vector.extract %slice3A_287[0] : f32 from vector<1xf32>
    %slice3A_289 = vector.extract_strided_slice %scan3A_5#6 {offsets = [1], sizes = [1], strides = [1]} : vector<16xf32> to vector<1xf32>
    %squeeze3A_290 = vector.extract %slice3A_289[0] : f32 from vector<1xf32>
    %add3A_291 = arith.addf %squeeze3A_288, %squeeze3A_290 : f32
    %slice3A_292 = vector.extract_strided_slice %scan3A_5#6 {offsets = [2], sizes = [1], strides = [1]} : vector<16xf32> to vector<1xf32>
    %squeeze3A_293 = vector.extract %slice3A_292[0] : f32 from vector<1xf32>
    %add3A_294 = arith.addf %add3A_291, %squeeze3A_293 : f32
    %slice3A_295 = vector.extract_strided_slice %scan3A_5#6 {offsets = [3], sizes = [1], strides = [1]} : vector<16xf32> to vector<1xf32>
    %squeeze3A_296 = vector.extract %slice3A_295[0] : f32 from vector<1xf32>
    %add3A_297 = arith.addf %add3A_294, %squeeze3A_296 : f32
    %slice3A_298 = vector.extract_strided_slice %scan3A_5#6 {offsets = [4], sizes = [1], strides = [1]} : vector<16xf32> to vector<1xf32>
    %squeeze3A_299 = vector.extract %slice3A_298[0] : f32 from vector<1xf32>
    %add3A_300 = arith.addf %add3A_297, %squeeze3A_299 : f32
    %slice3A_301 = vector.extract_strided_slice %scan3A_5#6 {offsets = [5], sizes = [1], strides = [1]} : vector<16xf32> to vector<1xf32>
    %squeeze3A_302 = vector.extract %slice3A_301[0] : f32 from vector<1xf32>
    %add3A_303 = arith.addf %add3A_300, %squeeze3A_302 : f32
    %slice3A_304 = vector.extract_strided_slice %scan3A_5#6 {offsets = [6], sizes = [1], strides = [1]} : vector<16xf32> to vector<1xf32>
    %squeeze3A_305 = vector.extract %slice3A_304[0] : f32 from vector<1xf32>
    %add3A_306 = arith.addf %add3A_303, %squeeze3A_305 : f32
    %slice3A_307 = vector.extract_strided_slice %scan3A_5#6 {offsets = [7], sizes = [1], strides = [1]} : vector<16xf32> to vector<1xf32>
    %squeeze3A_308 = vector.extract %slice3A_307[0] : f32 from vector<1xf32>
    %add3A_309 = arith.addf %add3A_306, %squeeze3A_308 : f32
    %slice3A_310 = vector.extract_strided_slice %scan3A_5#6 {offsets = [8], sizes = [1], strides = [1]} : vector<16xf32> to vector<1xf32>
    %squeeze3A_311 = vector.extract %slice3A_310[0] : f32 from vector<1xf32>
    %add3A_312 = arith.addf %add3A_309, %squeeze3A_311 : f32
    %slice3A_313 = vector.extract_strided_slice %scan3A_5#6 {offsets = [9], sizes = [1], strides = [1]} : vector<16xf32> to vector<1xf32>
    %squeeze3A_314 = vector.extract %slice3A_313[0] : f32 from vector<1xf32>
    %add3A_315 = arith.addf %add3A_312, %squeeze3A_314 : f32
    %slice3A_316 = vector.extract_strided_slice %scan3A_5#6 {offsets = [10], sizes = [1], strides = [1]} : vector<16xf32> to vector<1xf32>
    %squeeze3A_317 = vector.extract %slice3A_316[0] : f32 from vector<1xf32>
    %add3A_318 = arith.addf %add3A_315, %squeeze3A_317 : f32
    %slice3A_319 = vector.extract_strided_slice %scan3A_5#6 {offsets = [11], sizes = [1], strides = [1]} : vector<16xf32> to vector<1xf32>
    %squeeze3A_320 = vector.extract %slice3A_319[0] : f32 from vector<1xf32>
    %add3A_321 = arith.addf %add3A_318, %squeeze3A_320 : f32
    %slice3A_322 = vector.extract_strided_slice %scan3A_5#6 {offsets = [12], sizes = [1], strides = [1]} : vector<16xf32> to vector<1xf32>
    %squeeze3A_323 = vector.extract %slice3A_322[0] : f32 from vector<1xf32>
    %add3A_324 = arith.addf %add3A_321, %squeeze3A_323 : f32
    %slice3A_325 = vector.extract_strided_slice %scan3A_5#6 {offsets = [13], sizes = [1], strides = [1]} : vector<16xf32> to vector<1xf32>
    %squeeze3A_326 = vector.extract %slice3A_325[0] : f32 from vector<1xf32>
    %add3A_327 = arith.addf %add3A_324, %squeeze3A_326 : f32
    %slice3A_328 = vector.extract_strided_slice %scan3A_5#6 {offsets = [14], sizes = [1], strides = [1]} : vector<16xf32> to vector<1xf32>
    %squeeze3A_329 = vector.extract %slice3A_328[0] : f32 from vector<1xf32>
    %add3A_330 = arith.addf %add3A_327, %squeeze3A_329 : f32
    %slice3A_331 = vector.extract_strided_slice %scan3A_5#6 {offsets = [15], sizes = [1], strides = [1]} : vector<16xf32> to vector<1xf32>
    %squeeze3A_332 = vector.extract %slice3A_331[0] : f32 from vector<1xf32>
    %add3A_333 = arith.addf %add3A_330, %squeeze3A_332 : f32
    %slice3A_334 = vector.extract_strided_slice %scan3A_5#7 {offsets = [0], sizes = [1], strides = [1]} : vector<16xf32> to vector<1xf32>
    %squeeze3A_335 = vector.extract %slice3A_334[0] : f32 from vector<1xf32>
    %slice3A_336 = vector.extract_strided_slice %scan3A_5#7 {offsets = [1], sizes = [1], strides = [1]} : vector<16xf32> to vector<1xf32>
    %squeeze3A_337 = vector.extract %slice3A_336[0] : f32 from vector<1xf32>
    %add3A_338 = arith.addf %squeeze3A_335, %squeeze3A_337 : f32
    %slice3A_339 = vector.extract_strided_slice %scan3A_5#7 {offsets = [2], sizes = [1], strides = [1]} : vector<16xf32> to vector<1xf32>
    %squeeze3A_340 = vector.extract %slice3A_339[0] : f32 from vector<1xf32>
    %add3A_341 = arith.addf %add3A_338, %squeeze3A_340 : f32
    %slice3A_342 = vector.extract_strided_slice %scan3A_5#7 {offsets = [3], sizes = [1], strides = [1]} : vector<16xf32> to vector<1xf32>
    %squeeze3A_343 = vector.extract %slice3A_342[0] : f32 from vector<1xf32>
    %add3A_344 = arith.addf %add3A_341, %squeeze3A_343 : f32
    %slice3A_345 = vector.extract_strided_slice %scan3A_5#7 {offsets = [4], sizes = [1], strides = [1]} : vector<16xf32> to vector<1xf32>
    %squeeze3A_346 = vector.extract %slice3A_345[0] : f32 from vector<1xf32>
    %add3A_347 = arith.addf %add3A_344, %squeeze3A_346 : f32
    %slice3A_348 = vector.extract_strided_slice %scan3A_5#7 {offsets = [5], sizes = [1], strides = [1]} : vector<16xf32> to vector<1xf32>
    %squeeze3A_349 = vector.extract %slice3A_348[0] : f32 from vector<1xf32>
    %add3A_350 = arith.addf %add3A_347, %squeeze3A_349 : f32
    %slice3A_351 = vector.extract_strided_slice %scan3A_5#7 {offsets = [6], sizes = [1], strides = [1]} : vector<16xf32> to vector<1xf32>
    %squeeze3A_352 = vector.extract %slice3A_351[0] : f32 from vector<1xf32>
    %add3A_353 = arith.addf %add3A_350, %squeeze3A_352 : f32
    %slice3A_354 = vector.extract_strided_slice %scan3A_5#7 {offsets = [7], sizes = [1], strides = [1]} : vector<16xf32> to vector<1xf32>
    %squeeze3A_355 = vector.extract %slice3A_354[0] : f32 from vector<1xf32>
    %add3A_356 = arith.addf %add3A_353, %squeeze3A_355 : f32
    %slice3A_357 = vector.extract_strided_slice %scan3A_5#7 {offsets = [8], sizes = [1], strides = [1]} : vector<16xf32> to vector<1xf32>
    %squeeze3A_358 = vector.extract %slice3A_357[0] : f32 from vector<1xf32>
    %add3A_359 = arith.addf %add3A_356, %squeeze3A_358 : f32
    %slice3A_360 = vector.extract_strided_slice %scan3A_5#7 {offsets = [9], sizes = [1], strides = [1]} : vector<16xf32> to vector<1xf32>
    %squeeze3A_361 = vector.extract %slice3A_360[0] : f32 from vector<1xf32>
    %add3A_362 = arith.addf %add3A_359, %squeeze3A_361 : f32
    %slice3A_363 = vector.extract_strided_slice %scan3A_5#7 {offsets = [10], sizes = [1], strides = [1]} : vector<16xf32> to vector<1xf32>
    %squeeze3A_364 = vector.extract %slice3A_363[0] : f32 from vector<1xf32>
    %add3A_365 = arith.addf %add3A_362, %squeeze3A_364 : f32
    %slice3A_366 = vector.extract_strided_slice %scan3A_5#7 {offsets = [11], sizes = [1], strides = [1]} : vector<16xf32> to vector<1xf32>
    %squeeze3A_367 = vector.extract %slice3A_366[0] : f32 from vector<1xf32>
    %add3A_368 = arith.addf %add3A_365, %squeeze3A_367 : f32
    %slice3A_369 = vector.extract_strided_slice %scan3A_5#7 {offsets = [12], sizes = [1], strides = [1]} : vector<16xf32> to vector<1xf32>
    %squeeze3A_370 = vector.extract %slice3A_369[0] : f32 from vector<1xf32>
    %add3A_371 = arith.addf %add3A_368, %squeeze3A_370 : f32
    %slice3A_372 = vector.extract_strided_slice %scan3A_5#7 {offsets = [13], sizes = [1], strides = [1]} : vector<16xf32> to vector<1xf32>
    %squeeze3A_373 = vector.extract %slice3A_372[0] : f32 from vector<1xf32>
    %add3A_374 = arith.addf %add3A_371, %squeeze3A_373 : f32
    %slice3A_375 = vector.extract_strided_slice %scan3A_5#7 {offsets = [14], sizes = [1], strides = [1]} : vector<16xf32> to vector<1xf32>
    %squeeze3A_376 = vector.extract %slice3A_375[0] : f32 from vector<1xf32>
    %add3A_377 = arith.addf %add3A_374, %squeeze3A_376 : f32
    %slice3A_378 = vector.extract_strided_slice %scan3A_5#7 {offsets = [15], sizes = [1], strides = [1]} : vector<16xf32> to vector<1xf32>
    %squeeze3A_379 = vector.extract %slice3A_378[0] : f32 from vector<1xf32>
    %add3A_380 = arith.addf %add3A_377, %squeeze3A_379 : f32
    %max3A = arith.maximumf %add3A_51, %add3A_98 : f32
    %max3A_381 = arith.maximumf %max3A, %add3A_145 : f32
    %max3A_382 = arith.maximumf %max3A_381, %add3A_192 : f32
    %max3A_383 = arith.maximumf %max3A_382, %add3A_239 : f32
    %max3A_384 = arith.maximumf %max3A_383, %add3A_286 : f32
    %max3A_385 = arith.maximumf %max3A_384, %add3A_333 : f32
    %max3A_386 = arith.maximumf %max3A_385, %add3A_380 : f32
    %eq3A = arith.cmpf oeq, %add3A_51, %max3A_386 : f32
    %jit3A = arith.constant -3.40282347E+38 : f32
    %select_n3A = arith.select %eq3A, %jit3A, %add3A_51 : f32
    %eq3A_387 = arith.cmpf oeq, %add3A_98, %max3A_386 : f32
    %jit3A_388 = arith.constant -3.40282347E+38 : f32
    %select_n3A_389 = arith.select %eq3A_387, %jit3A_388, %add3A_98 : f32
    %eq3A_390 = arith.cmpf oeq, %add3A_145, %max3A_386 : f32
    %jit3A_391 = arith.constant -3.40282347E+38 : f32
    %select_n3A_392 = arith.select %eq3A_390, %jit3A_391, %add3A_145 : f32
    %eq3A_393 = arith.cmpf oeq, %add3A_192, %max3A_386 : f32
    %jit3A_394 = arith.constant -3.40282347E+38 : f32
    %select_n3A_395 = arith.select %eq3A_393, %jit3A_394, %add3A_192 : f32
    %eq3A_396 = arith.cmpf oeq, %add3A_239, %max3A_386 : f32
    %jit3A_397 = arith.constant -3.40282347E+38 : f32
    %select_n3A_398 = arith.select %eq3A_396, %jit3A_397, %add3A_239 : f32
    %eq3A_399 = arith.cmpf oeq, %add3A_286, %max3A_386 : f32
    %jit3A_400 = arith.constant -3.40282347E+38 : f32
    %select_n3A_401 = arith.select %eq3A_399, %jit3A_400, %add3A_286 : f32
    %eq3A_402 = arith.cmpf oeq, %add3A_333, %max3A_386 : f32
    %jit3A_403 = arith.constant -3.40282347E+38 : f32
    %select_n3A_404 = arith.select %eq3A_402, %jit3A_403, %add3A_333 : f32
    %eq3A_405 = arith.cmpf oeq, %add3A_380, %max3A_386 : f32
    %jit3A_406 = arith.constant -3.40282347E+38 : f32
    %select_n3A_407 = arith.select %eq3A_405, %jit3A_406, %add3A_380 : f32
    %max3A_408 = arith.maximumf %select_n3A, %select_n3A_389 : f32
    %max3A_409 = arith.maximumf %max3A_408, %select_n3A_392 : f32
    %max3A_410 = arith.maximumf %max3A_409, %select_n3A_395 : f32
    %max3A_411 = arith.maximumf %max3A_410, %select_n3A_398 : f32
    %max3A_412 = arith.maximumf %max3A_411, %select_n3A_401 : f32
    %max3A_413 = arith.maximumf %max3A_412, %select_n3A_404 : f32
    %max3A_414 = arith.maximumf %max3A_413, %select_n3A_407 : f32
    %get3A = arith.constant 0 : index
    %get3A_415 = tpu.vector_load %arg8[%get3A] {strides = array<i32>} : memref<16xf32, #tpu.memory_space<vmem>>, vector<16xf32>,
    %get3A_416 = vector.shape_cast %get3A_415 : vector<16xf32> to vector<16xf32>
    %slice3A_417 = vector.extract_strided_slice %get3A_416 {offsets = [0], sizes = [1], strides = [1]} : vector<16xf32> to vector<1xf32>
    %squeeze3A_418 = vector.extract %slice3A_417[0] : f32 from vector<1xf32>
    %eq3A_419 = arith.cmpf oeq, %add3A_51, %max3A_386 : f32
    %jit3A_420 = arith.constant 0.000000e+00 : f32
    %select_n3A_421 = arith.select %eq3A_419, %squeeze3A_418, %jit3A_420 : f32
    %add3A_422 = arith.constant 0.000000e+00 : f32
    %add3A_423 = arith.addf %add3A_422, %select_n3A_421 : f32
    %eq3A_424 = arith.cmpf oeq, %add3A_51, %max3A_414 : f32
    %jit3A_425 = arith.constant 0.000000e+00 : f32
    %select_n3A_426 = arith.select %eq3A_424, %squeeze3A_418, %jit3A_425 : f32
    %add3A_427 = arith.constant 0.000000e+00 : f32
    %add3A_428 = arith.addf %add3A_427, %select_n3A_426 : f32
    %slice3A_429 = vector.extract_strided_slice %get3A_416 {offsets = [1], sizes = [1], strides = [1]} : vector<16xf32> to vector<1xf32>
    %squeeze3A_430 = vector.extract %slice3A_429[0] : f32 from vector<1xf32>
    %eq3A_431 = arith.cmpf oeq, %add3A_98, %max3A_386 : f32
    %jit3A_432 = arith.constant 0.000000e+00 : f32
    %select_n3A_433 = arith.select %eq3A_431, %squeeze3A_430, %jit3A_432 : f32
    %add3A_434 = arith.addf %add3A_423, %select_n3A_433 : f32
    %eq3A_435 = arith.cmpf oeq, %add3A_98, %max3A_414 : f32
    %jit3A_436 = arith.constant 0.000000e+00 : f32
    %select_n3A_437 = arith.select %eq3A_435, %squeeze3A_430, %jit3A_436 : f32
    %add3A_438 = arith.addf %add3A_428, %select_n3A_437 : f32
    %slice3A_439 = vector.extract_strided_slice %get3A_416 {offsets = [2], sizes = [1], strides = [1]} : vector<16xf32> to vector<1xf32>
    %squeeze3A_440 = vector.extract %slice3A_439[0] : f32 from vector<1xf32>
    %eq3A_441 = arith.cmpf oeq, %add3A_145, %max3A_386 : f32
    %jit3A_442 = arith.constant 0.000000e+00 : f32
    %select_n3A_443 = arith.select %eq3A_441, %squeeze3A_440, %jit3A_442 : f32
    %add3A_444 = arith.addf %add3A_434, %select_n3A_443 : f32
    %eq3A_445 = arith.cmpf oeq, %add3A_145, %max3A_414 : f32
    %jit3A_446 = arith.constant 0.000000e+00 : f32
    %select_n3A_447 = arith.select %eq3A_445, %squeeze3A_440, %jit3A_446 : f32
    %add3A_448 = arith.addf %add3A_438, %select_n3A_447 : f32
    %slice3A_449 = vector.extract_strided_slice %get3A_416 {offsets = [3], sizes = [1], strides = [1]} : vector<16xf32> to vector<1xf32>
    %squeeze3A_450 = vector.extract %slice3A_449[0] : f32 from vector<1xf32>
    %eq3A_451 = arith.cmpf oeq, %add3A_192, %max3A_386 : f32
    %jit3A_452 = arith.constant 0.000000e+00 : f32
    %select_n3A_453 = arith.select %eq3A_451, %squeeze3A_450, %jit3A_452 : f32
    %add3A_454 = arith.addf %add3A_444, %select_n3A_453 : f32
    %eq3A_455 = arith.cmpf oeq, %add3A_192, %max3A_414 : f32
    %jit3A_456 = arith.constant 0.000000e+00 : f32
    %select_n3A_457 = arith.select %eq3A_455, %squeeze3A_450, %jit3A_456 : f32
    %add3A_458 = arith.addf %add3A_448, %select_n3A_457 : f32
    %slice3A_459 = vector.extract_strided_slice %get3A_416 {offsets = [4], sizes = [1], strides = [1]} : vector<16xf32> to vector<1xf32>
    %squeeze3A_460 = vector.extract %slice3A_459[0] : f32 from vector<1xf32>
    %eq3A_461 = arith.cmpf oeq, %add3A_239, %max3A_386 : f32
    %jit3A_462 = arith.constant 0.000000e+00 : f32
    %select_n3A_463 = arith.select %eq3A_461, %squeeze3A_460, %jit3A_462 : f32
    %add3A_464 = arith.addf %add3A_454, %select_n3A_463 : f32
    %eq3A_465 = arith.cmpf oeq, %add3A_239, %max3A_414 : f32
    %jit3A_466 = arith.constant 0.000000e+00 : f32
    %select_n3A_467 = arith.select %eq3A_465, %squeeze3A_460, %jit3A_466 : f32
    %add3A_468 = arith.addf %add3A_458, %select_n3A_467 : f32
    %slice3A_469 = vector.extract_strided_slice %get3A_416 {offsets = [5], sizes = [1], strides = [1]} : vector<16xf32> to vector<1xf32>
    %squeeze3A_470 = vector.extract %slice3A_469[0] : f32 from vector<1xf32>
    %eq3A_471 = arith.cmpf oeq, %add3A_286, %max3A_386 : f32
    %jit3A_472 = arith.constant 0.000000e+00 : f32
    %select_n3A_473 = arith.select %eq3A_471, %squeeze3A_470, %jit3A_472 : f32
    %add3A_474 = arith.addf %add3A_464, %select_n3A_473 : f32
    %eq3A_475 = arith.cmpf oeq, %add3A_286, %max3A_414 : f32
    %jit3A_476 = arith.constant 0.000000e+00 : f32
    %select_n3A_477 = arith.select %eq3A_475, %squeeze3A_470, %jit3A_476 : f32
    %add3A_478 = arith.addf %add3A_468, %select_n3A_477 : f32
    %slice3A_479 = vector.extract_strided_slice %get3A_416 {offsets = [6], sizes = [1], strides = [1]} : vector<16xf32> to vector<1xf32>
    %squeeze3A_480 = vector.extract %slice3A_479[0] : f32 from vector<1xf32>
    %eq3A_481 = arith.cmpf oeq, %add3A_333, %max3A_386 : f32
    %jit3A_482 = arith.constant 0.000000e+00 : f32
    %select_n3A_483 = arith.select %eq3A_481, %squeeze3A_480, %jit3A_482 : f32
    %add3A_484 = arith.addf %add3A_474, %select_n3A_483 : f32
    %eq3A_485 = arith.cmpf oeq, %add3A_333, %max3A_414 : f32
    %jit3A_486 = arith.constant 0.000000e+00 : f32
    %select_n3A_487 = arith.select %eq3A_485, %squeeze3A_480, %jit3A_486 : f32
    %add3A_488 = arith.addf %add3A_478, %select_n3A_487 : f32
    %slice3A_489 = vector.extract_strided_slice %get3A_416 {offsets = [7], sizes = [1], strides = [1]} : vector<16xf32> to vector<1xf32>
    %squeeze3A_490 = vector.extract %slice3A_489[0] : f32 from vector<1xf32>
    %eq3A_491 = arith.cmpf oeq, %add3A_380, %max3A_386 : f32
    %jit3A_492 = arith.constant 0.000000e+00 : f32
    %select_n3A_493 = arith.select %eq3A_491, %squeeze3A_490, %jit3A_492 : f32
    %add3A_494 = arith.addf %add3A_484, %select_n3A_493 : f32
    %eq3A_495 = arith.cmpf oeq, %add3A_380, %max3A_414 : f32
    %jit3A_496 = arith.constant 0.000000e+00 : f32
    %select_n3A_497 = arith.select %eq3A_495, %squeeze3A_490, %jit3A_496 : f32
    %add3A_498 = arith.addf %add3A_488, %select_n3A_497 : f32
    %sub3A = arith.subf %max3A_414, %max3A_386 : f32
    %broadcast_in_dim3A_499 = vector.broadcast %sub3A : f32 to vector<16xf32>
    %exp3A = math.exp %broadcast_in_dim3A_499 : vector<16xf32>
    %add3A_500 = arith.constant 1.000000e+00 : f32
    %add3A_501 = vector.broadcast %add3A_500 : f32 to vector<16xf32>
    %add3A_502 = arith.addf %add3A_501, %exp3A : vector<16xf32>
    %div3A = arith.constant 1.000000e+00 : f32
    %div3A_503 = vector.broadcast %div3A : f32 to vector<16xf32>
    %div3A_504 = arith.divf %div3A_503, %add3A_502 : vector<16xf32>
    %broadcast_in_dim3A_505 = vector.broadcast %add3A_494 : f32 to vector<16xf32>
    %mul3A_506 = arith.mulf %broadcast_in_dim3A_505, %div3A_504 : vector<16xf32>
    %broadcast_in_dim3A_507 = vector.broadcast %add3A_498 : f32 to vector<16xf32>
    %sub3A_508 = arith.constant 1.000000e+00 : f32
    %sub3A_509 = vector.broadcast %sub3A_508 : f32 to vector<16xf32>
    %sub3A_510 = arith.subf %div3A_504, %sub3A_509 : vector<16xf32>
    %mul3A_511 = arith.mulf %broadcast_in_dim3A_507, %sub3A_510 : vector<16xf32>
    %sub3A_512 = arith.subf %mul3A_506, %mul3A_511 : vector<16xf32>
    %swap3A = arith.constant 0 : index
    %swap3A_513 = tpu.vector_load %arg9[%swap3A] {strides = array<i32>} : memref<16xf32, #tpu.memory_space<vmem>>, vector<16xf32>,
    %swap3A_514 = vector.shape_cast %swap3A_513 : vector<16xf32> to vector<16xf32>
    %swap3A_515 = vector.shape_cast %sub3A_512 : vector<16xf32> to vector<16xf32>
    tpu.vector_store %arg9[%swap3A], %swap3A_515 {strides = array<i32>} : memref<16xf32, #tpu.memory_space<vmem>>, vector<16xf32>,
    "tpu.region"() ({
      %run_scoped3A = tpu.sem_alloc : memref<!tpu.dma_semaphore, #tpu.memory_space<semaphore_mem>>
      %dma_start3A = arith.constant 0 : i32
      %dma_start3A_516 = tpu.memref_slice %arg5[%add3A, %dma_start3A] : memref<32x16xf32, #tpu.memory_space<hbm>> -> memref<1x16xf32, #tpu.memory_space<hbm>>
      %dma_start3A_517 = tpu.memref_squeeze %dma_start3A_516 : memref<1x16xf32, #tpu.memory_space<hbm>> -> memref<16xf32, #tpu.memory_space<hbm>>
      %dma_start3A_518 = arith.constant 0 : i32
      %dma_start3A_519 = tpu.memref_slice %arg5[%add3A, %dma_start3A_518] : memref<32x16xf32, #tpu.memory_space<hbm>> -> memref<1x16xf32, #tpu.memory_space<hbm>>
      %dma_start3A_520 = tpu.memref_squeeze %dma_start3A_519 : memref<1x16xf32, #tpu.memory_space<hbm>> -> memref<16xf32, #tpu.memory_space<hbm>>
      tpu.enqueue_dma source(%arg9 : memref<16xf32, #tpu.memory_space<vmem>>) target(%dma_start3A_520 : memref<16xf32, #tpu.memory_space<hbm>>) target_semaphore(%run_scoped3A : memref<!tpu.dma_semaphore, #tpu.memory_space<semaphore_mem>>)
      %dma_wait3A = arith.constant 0 : i32
      %dma_wait3A_521 = tpu.memref_slice %arg5[%add3A, %dma_wait3A] : memref<32x16xf32, #tpu.memory_space<hbm>> -> memref<1x16xf32, #tpu.memory_space<hbm>>
      %dma_wait3A_522 = tpu.memref_squeeze %dma_wait3A_521 : memref<1x16xf32, #tpu.memory_space<hbm>> -> memref<16xf32, #tpu.memory_space<hbm>>
      %dma_wait3A_523 = arith.constant 0 : i32
      %dma_wait3A_524 = tpu.memref_slice %arg5[%add3A, %dma_wait3A_523] : memref<32x16xf32, #tpu.memory_space<hbm>> -> memref<1x16xf32, #tpu.memory_space<hbm>>
      %dma_wait3A_525 = tpu.memref_squeeze %dma_wait3A_524 : memref<1x16xf32, #tpu.memory_space<hbm>> -> memref<16xf32, #tpu.memory_space<hbm>>
      tpu.wait_dma2 semaphore(%run_scoped3A : memref<!tpu.dma_semaphore, #tpu.memory_space<semaphore_mem>>) src(%arg9 : memref<16xf32, #tpu.memory_space<vmem>>) dst(%dma_wait3A_525 : memref<16xf32, #tpu.memory_space<hbm>>)
      tpu.yield
    }) : () -> ()
    return
  }
}

module attributes {stable_mosaic.version = 14 : i64} {
  func.func @_mlp_body(%arg0: i32, %arg1: memref<32x4096xf32, #tpu.memory_space<vmem>>, %arg2: memref<4096x256xf32, #tpu.memory_space<vmem>>, %arg3: memref<4096x256xf32, #tpu.memory_space<vmem>>, %arg4: memref<256x4096xf32, #tpu.memory_space<vmem>>, %arg5: memref<32x4096xf32, #tpu.memory_space<vmem>>, %arg6: memref<32x4096xf32, #tpu.memory_space<vmem>>) attributes {dimension_semantics = [#tpu.dimension_semantics<arbitrary>], iteration_bounds = array<i64: 56>, scalar_prefetch = 0 : i64, scratch_operands = 1 : i64, tpu.core_type = #tpu.core_type<tc>, window_params = [{pipeline_mode = #tpu.pipeline_mode<synchronous>, transform_indices = @transform_0, window_bounds = array<i64: 32, 4096>}, {transform_indices = @transform_1, window_bounds = array<i64: 4096, 256>}, {transform_indices = @transform_2, window_bounds = array<i64: 4096, 256>}, {transform_indices = @transform_3, window_bounds = array<i64: 256, 4096>}, {pipeline_mode = #tpu.pipeline_mode<synchronous>, transform_indices = @transform_4, window_bounds = array<i64: 32, 4096>}]} {
    %eq3A = arith.constant 0 : i32
    %eq3A_0 = arith.cmpi eq, %arg0, %eq3A : i32
    %convert_element_type3A = arith.extui %eq3A_0 : i1 to i32
    %cond3A = arith.constant 0 : i32
    %cond3A_1 = arith.cmpi ne, %convert_element_type3A, %cond3A : i32
    scf.if %cond3A_1 {
      %broadcast_in_dim3A = arith.constant 0.000000e+00 : f32
      %broadcast_in_dim3A_34 = vector.broadcast %broadcast_in_dim3A : f32 to vector<32x4096xf32>
      %swap3A_35 = arith.constant 0 : index
      %swap3A_36 = arith.constant 0 : index
      %swap3A_37 = vector.load %arg6[%swap3A_35, %swap3A_36] : memref<32x4096xf32, #tpu.memory_space<vmem>>, vector<32x4096xf32>
      tpu.vector_store %arg6[%swap3A_35, %swap3A_36], %broadcast_in_dim3A_34 {strides = array<i32>} : memref<32x4096xf32, #tpu.memory_space<vmem>>, vector<32x4096xf32>,
    } else {
    }
    %get3A = arith.constant 0 : index
    %get3A_2 = arith.constant 0 : index
    %get3A_3 = vector.load %arg1[%get3A, %get3A_2] : memref<32x4096xf32, #tpu.memory_space<vmem>>, vector<32x4096xf32>
    %get3A_4 = arith.constant 0 : index
    %get3A_5 = arith.constant 0 : index
    %get3A_6 = vector.load %arg2[%get3A_4, %get3A_5] : memref<4096x256xf32, #tpu.memory_space<vmem>>, vector<4096x256xf32>
    %dot_general3A = arith.constant dense<0.000000e+00> : vector<32x256xf32>
    %dot_general3A_7 = tpu.matmul %get3A_3, %get3A_6, %dot_general3A {dimension_numbers = #tpu.dot_dimension_numbers<[1], [0], [0], [1], [0, 0, 1, 1], [], []>, transpose_lhs_hint = false} : vector<32x4096xf32>, vector<4096x256xf32>, vector<32x256xf32> -> vector<32x256xf32>
    %get3A_8 = arith.constant 0 : index
    %get3A_9 = arith.constant 0 : index
    %get3A_10 = vector.load %arg3[%get3A_8, %get3A_9] : memref<4096x256xf32, #tpu.memory_space<vmem>>, vector<4096x256xf32>
    %dot_general3A_11 = arith.constant dense<0.000000e+00> : vector<32x256xf32>
    %dot_general3A_12 = tpu.matmul %get3A_3, %get3A_10, %dot_general3A_11 {dimension_numbers = #tpu.dot_dimension_numbers<[1], [0], [0], [1], [0, 0, 1, 1], [], []>, transpose_lhs_hint = false} : vector<32x4096xf32>, vector<4096x256xf32>, vector<32x256xf32> -> vector<32x256xf32>
    %logistic3A = arith.negf %dot_general3A_7 : vector<32x256xf32>
    %logistic3A_13 = math.exp %logistic3A : vector<32x256xf32>
    %logistic3A_14 = arith.constant 1.000000e+00 : f32
    %logistic3A_15 = vector.broadcast %logistic3A_14 : f32 to vector<32x256xf32>
    %logistic3A_16 = arith.addf %logistic3A_15, %logistic3A_13 : vector<32x256xf32>
    %logistic3A_17 = arith.divf %logistic3A_15, %logistic3A_16 : vector<32x256xf32>
    %mul3A = arith.mulf %dot_general3A_7, %logistic3A_17 : vector<32x256xf32>
    %mul3A_18 = arith.mulf %mul3A, %dot_general3A_12 : vector<32x256xf32>
    %get3A_19 = arith.constant 0 : index
    %get3A_20 = arith.constant 0 : index
    %get3A_21 = vector.load %arg6[%get3A_19, %get3A_20] : memref<32x4096xf32, #tpu.memory_space<vmem>>, vector<32x4096xf32>
    %get3A_22 = arith.constant 0 : index
    %get3A_23 = arith.constant 0 : index
    %get3A_24 = vector.load %arg4[%get3A_22, %get3A_23] : memref<256x4096xf32, #tpu.memory_space<vmem>>, vector<256x4096xf32>
    %dot_general3A_25 = arith.constant dense<0.000000e+00> : vector<32x4096xf32>
    %dot_general3A_26 = tpu.matmul %mul3A_18, %get3A_24, %dot_general3A_25 {dimension_numbers = #tpu.dot_dimension_numbers<[1], [0], [0], [1], [0, 0, 1, 1], [], []>, transpose_lhs_hint = false} : vector<32x256xf32>, vector<256x4096xf32>, vector<32x4096xf32> -> vector<32x4096xf32>
    %add3A = arith.addf %get3A_21, %dot_general3A_26 : vector<32x4096xf32>
    %swap3A = arith.constant 0 : index
    %swap3A_27 = arith.constant 0 : index
    %swap3A_28 = vector.load %arg6[%swap3A, %swap3A_27] : memref<32x4096xf32, #tpu.memory_space<vmem>>, vector<32x4096xf32>
    tpu.vector_store %arg6[%swap3A, %swap3A_27], %add3A {strides = array<i32>} : memref<32x4096xf32, #tpu.memory_space<vmem>>, vector<32x4096xf32>,
    %eq3A_29 = arith.constant 55 : i32
    %eq3A_30 = arith.cmpi eq, %arg0, %eq3A_29 : i32
    %convert_element_type3A_31 = arith.extui %eq3A_30 : i1 to i32
    %cond3A_32 = arith.constant 0 : i32
    %cond3A_33 = arith.cmpi ne, %convert_element_type3A_31, %cond3A_32 : i32
    scf.if %cond3A_33 {
      %get3A_34 = arith.constant 0 : index
      %get3A_35 = arith.constant 0 : index
      %get3A_36 = vector.load %arg6[%get3A_34, %get3A_35] : memref<32x4096xf32, #tpu.memory_space<vmem>>, vector<32x4096xf32>
      %swap3A_37 = arith.constant 0 : index
      %swap3A_38 = arith.constant 0 : index
      %swap3A_39 = vector.load %arg5[%swap3A_37, %swap3A_38] : memref<32x4096xf32, #tpu.memory_space<vmem>>, vector<32x4096xf32>
      tpu.vector_store %arg5[%swap3A_37, %swap3A_38], %get3A_36 {strides = array<i32>} : memref<32x4096xf32, #tpu.memory_space<vmem>>, vector<32x4096xf32>,
    } else {
    }
    return
  }
  func.func @transform_0(%arg0: i32) -> (i32, i32) {
    %c0_i32 = arith.constant 0 : i32
    %c0_i32_0 = arith.constant 0 : i32
    %c0_i32_1 = arith.constant 0 : i32
    return %c0_i32, %c0_i32_0 : i32, i32
  }
  func.func @transform_1(%arg0: i32) -> (i32, i32) {
    %c0_i32 = arith.constant 0 : i32
    %c0_i32_0 = arith.constant 0 : i32
    return %c0_i32, %arg0 : i32, i32
  }
  func.func @transform_2(%arg0: i32) -> (i32, i32) {
    %c0_i32 = arith.constant 0 : i32
    %c0_i32_0 = arith.constant 0 : i32
    return %c0_i32, %arg0 : i32, i32
  }
  func.func @transform_3(%arg0: i32) -> (i32, i32) {
    %c0_i32 = arith.constant 0 : i32
    %c0_i32_0 = arith.constant 0 : i32
    return %arg0, %c0_i32 : i32, i32
  }
  func.func @transform_4(%arg0: i32) -> (i32, i32) {
    %c0_i32 = arith.constant 0 : i32
    %c0_i32_0 = arith.constant 0 : i32
    %c0_i32_1 = arith.constant 0 : i32
    return %c0_i32, %c0_i32_0 : i32, i32
  }
}

</mosaic_0001>

<sc_bundles>
// kernel: _moe.4.cloned.1.call-start
scs
__scs_entry_jumppad:
0x0: {  	(pc) =	sbr.rel $0x88, $3  }
0x1: {  	(tag) =	ssettag $0x0;
	lr =	simm.s32 $0x1  }
0x2: {  	[smem:$0x3F9B] =	sst lr;
	_ =	strace $0xD0000000  }
0x3: {  	_ = 	snop  }
0x4: {  	_ = 	snop  }
0x5: {  	_ = 	snop  }
0x6: {  	_ = 	snop  }
0x7: {  	_ = 	snop  }
__scs_overlays_trampoline_lowered:
0x8: {  	[smem:$0x3FAA] =	sst s0  }
0x9: {  	[smem:$0x3FAB] =	sst s1  }
0xa: {  	[smem:$0x3FAC] =	sst s2  }
0xb: {  	[smem:$0x3FAD] =	sst s3  }
0xc: {  	[smem:$0x3FAE] =	sst s4  }
0xd: {  	[smem:$0x3FAF] =	sst s5  }
0xe: {  	[smem:$0x3FB0] =	sst s6  }
0xf: {  	[smem:$0x3FB1] =	sst s7  }
0x10: {  	[smem:$0x3FB2] =	sst s8  }
0x11: {  	[smem:$0x3FB3] =	sst s9;
	s0 =	simm.s32 @!p0 $0x0  }
0x12: {  	s1 =	sld [smem:$0x3F99];
	s0 =	simm.s32 @p0 $0x1  }
0x13: {  	[smem:$0x3FB4] =	sst s0;
	s0 =	simm.s32 @!p1 $0x0  }
0x14: {  	s2 =	sld [smem:$0x3F98];
	s0 =	simm.s32 @p1 $0x1  }
0x15: {  	[smem:$0x3FB5] =	sst s0;
	s0 =	simm.s32 @!p2 $0x0  }
0x16: {  	s3 =	sld [smem:$0x3FDB];
	s0 =	simm.s32 @p2 $0x1  }
0x17: {  	s4 =	simm.s32 $0x1BF5;
	[smem:$0x3FB7] =	sst s0  }
0x18: {  	s0 =	sld [smem:$0x3F9A];
	_ =	swait.ge [sflag:s4], $0x0  }
0x19: {  	s7 =	sld [smem:$0x3F9B]  }
0x1a: {  	s8 =	sadd.s32 $0xFFFFE003, lr  }
0x1b: {  	s9 =	sadd.s32 $0xFFFFFEF7, lr;
	s5 =	simm.s32 $0xFFFFFFFF;
	p2 =	slt.u32 s8, $0xFFFFF086  }
0x1c: {  	p1 =	slt.u32 s9, $0xF7A;
	s5 =	simm.s32 @!p2 $0x0  }
0x1d: {  	s5 =	simm.s32 @p1 $0x1;
	p0 =	seq.s32 s7, s2  }
0x1e: {  	s7 =	smul.u32 @!p0 $0xF7A, s2;
	p2 =	seq.s32 @!p0 s5, $0x0  }
0x1f: {  	s9 =	smul.u32 $0xF7A, s1;
	s8 =	simm.s32 @!p0 $0x1BF5;
	p2 =	por !p2, p0  }
0x20: {  	[sflag:s8] =	ssyncset.s32 @!p0 $0xFFFFF086;
	s6 =	sadd.s32 @!p0 s3, s7;
	s7 =	simm.s32 @!p0 $0x108  }
0x21: {  	s3 =	sadd.s32 s3, s9;
	s6 =	sadd.s32 @!p0 $0x88, s6;
	s7 =	simm.s32 @p2 $0x1082  }
0x22: {  	[simem:s7], [sflag:s8] =	dma.local @!p0 [hbm:s6], $0xF7A  }
0x23: {  	s9 =	sor.u32 $0xD0000000, s2;
	s6 =	simm.s32 $0x108;
	_ =	swait.ge @!p0 [sflag:s8], $0x0  }
0x24: {  	s3 =	sadd.s32 $0x88, s3;
	s6 =	simm.s32 @!p1 $0x1082;
	[sflag:s4] =	ssyncset.s32 $0xFFFFF086  }
0x25: {  	[simem:s6], [sflag:s4] =	dma.local [hbm:s3], $0xF7A  }
0x26: {  	[smem:$0x3F9B] =	sst s1;
	(tag) =	ssettag s2;
	_ =	strace s9  }
0x27: {  	s1 =	sld [smem:$0x3FAB]  }
0x28: {  	s2 =	sld [smem:$0x3FAC]  }
0x29: {  	s4 =	sld [smem:$0x3FAE]  }
0x2a: {  	p0 =	seq.s32 s5, $0x0;
	s5 =	sld [smem:$0x3FAF]  }
0x2b: {  	s6 =	sld [smem:$0x3FB0]  }
0x2c: {  	s7 =	sld [smem:$0x3FB1]  }
0x2d: {  	s3 =	simm.s32 $0x108;
	s8 =	sld [smem:$0x3FB2]  }
0x2e: {  	s3 =	simm.s32 @!p0 $0x1082;
	s9 =	sld [smem:$0x3FB3]  }
0x2f: {  	lr =	sadd.s32 s0, s3;
	s0 =	sld [smem:$0x3FAA]  }
0x30: {  	s3 =	sld [smem:$0x3FAD]  }
0x31: {  	[smem:$0x3FB6] =	sst s10  }
0x32: {  	s10 =	sld [smem:$0x3FB4];
	_ =	sdelay $0x3  }
0x33: {  	p0 =	seq.s32 s10, $0x1;
	s10 =	sld [smem:$0x3FB6];
	_ =	sdelay $0x3  }
0x34: {  	[smem:$0x3FB6] =	sst s10  }
0x35: {  	s10 =	sld [smem:$0x3FB5];
	_ =	sdelay $0x3  }
0x36: {  	p1 =	seq.s32 s10, $0x1;
	s10 =	sld [smem:$0x3FB6];
	_ =	sdelay $0x3  }
0x37: {  	[smem:$0x3FB6] =	sst s10  }
0x38: {  	s10 =	sld [smem:$0x3FB7]  }
0x39: {  	_ = 	snop;
	(pc) =	sbr.ind lr, $3  }
0x3a: {  	_ = 	snop  }
0x3b: {  	_ = 	snop  }
0x3c: {  	p2 =	seq.s32 s10, $0x1;
	s10 =	sld [smem:$0x3FB6]  }
0x3d: {  	_ =	shalt  }
0x3e: {  	_ =	shalt  }
0x3f: {  	_ =	shalt  }
0x40: {  	_ =	shalt  }
0x41: {  	_ =	shalt  }
0x42: {  	_ =	shalt  }
0x43: {  	_ =	shalt  }
0x44: {  	_ =	shalt  }
0x45: {  	_ =	shalt  }
0x46: {  	_ =	shalt  }
0x47: {  	_ =	shalt  }
0x48: {  	_ =	shalt  }
0x49: {  	_ =	shalt  }
0x4a: {  	_ =	shalt  }
0x4b: {  	_ =	shalt  }
0x4c: {  	_ =	shalt  }
0x4d: {  	_ =	shalt  }
0x4e: {  	_ =	shalt  }
0x4f: {  	_ =	shalt  }
0x50: {  	_ =	shalt  }
0x51: {  	_ =	shalt  }
0x52: {  	_ =	shalt  }
0x53: {  	_ =	shalt  }
0x54: {  	_ =	shalt  }
0x55: {  	_ =	shalt  }
0x56: {  	_ =	shalt  }
0x57: {  	_ =	shalt  }
0x58: {  	_ =	shalt  }
0x59: {  	_ =	shalt  }
0x5a: {  	_ =	shalt  }
0x5b: {  	_ =	shalt  }
0x5c: {  	_ =	shalt  }
0x5d: {  	_ =	shalt  }
0x5e: {  	_ =	shalt  }
0x5f: {  	_ =	shalt  }
0x60: {  	_ =	shalt  }
0x61: {  	_ =	shalt  }
0x62: {  	_ =	shalt  }
0x63: {  	_ =	shalt  }
0x64: {  	_ =	shalt  }
0x65: {  	_ =	shalt  }
0x66: {  	_ =	shalt  }
0x67: {  	_ =	shalt  }
0x68: {  	_ =	shalt  }
0x69: {  	_ =	shalt  }
0x6a: {  	_ =	shalt  }
0x6b: {  	_ =	shalt  }
0x6c: {  	_ =	shalt  }
0x6d: {  	_ =	shalt  }
0x6e: {  	_ =	shalt  }
0x6f: {  	_ =	shalt  }
0x70: {  	_ =	shalt  }
0x71: {  	_ =	shalt  }
0x72: {  	_ =	shalt  }
0x73: {  	_ =	shalt  }
0x74: {  	_ =	shalt  }
0x75: {  	_ =	shalt  }
0x76: {  	_ =	shalt  }
0x77: {  	_ =	shalt  }
0x78: {  	_ =	shalt  }
0x79: {  	_ =	shalt  }
0x7a: {  	_ =	shalt  }
0x7b: {  	_ =	shalt  }
0x7c: {  	_ =	shalt  }
0x7d: {  	_ =	shalt  }
0x7e: {  	_ =	shalt  }
0x7f: {  	_ =	shalt  }
0x80: {  	_ =	shalt  }
0x81: {  	_ =	shalt  }
0x82: {  	_ =	shalt  }
0x83: {  	_ =	shalt  }
0x84: {  	_ =	shalt  }
0x85: {  	_ =	shalt  }
0x86: {  	_ =	shalt  }
0x87: {  	_ =	shalt  }
.Lfunc_end0:
.L_simem_size_0:
called_computation_lowered:
.L_overlay_start_0:
0x88: {  	s2 =	sld [smem:$0x3FD9]  }
0x89: {  	s3 =	sld [smem:$0x3FFE];
	_ =	sdelay $0x1  }
0x8a: {  	s1 =	srdreg.scid  }
0x8b: {  	s0 =	sand.u32 $0x1, s1  }
0x8c: {  	s17 =	sshll.u32 s0, $0xA;
	s2 =	sadd.s32 s3, s2  }
0x8d: {  	s2 =	sadd.s32 s2, s17  }
0x8e: {  	[smem:$0x3FC2] =	sst s2  }
0x8f: {  	_ = 	snop  }
0x90: {  	s2 =	sld [smem:$0x3FC9]  }
0x91: {  	s18 =	sld [smem:$0x3FC8]  }
0x92: {  	s4 =	sld [smem:$0x3FD0];
	(tm) =	ssettm $0x1  }
0x93: {  	s5 =	sld [smem:$0x3FFB];
	_ =	sdelay $0x3  }
0x94: {  	_ =	strace s5  }
0x95: {  	s5 =	sld [smem:$0x3FFC];
	_ =	sdelay $0x3  }
0x96: {  	_ =	strace s5  }
0x97: {  	s5 =	sld [smem:$0x3FFD];
	_ =	sdelay $0x3  }
0x98: {  	_ =	strace s5  }
0x99: {  	_ =	strace $0x8FFFFFFF  }
0x9a: {  	s19 =	sld [smem:$0x3FDB];
	_ =	sdelay $0x1  }
0x9b: {  	s6 =	simm.s32 $_scs_section_size  }
0x9c: {  	s7 =	simm.s32 $_size__tile_overlayer_lowered;
	s8 =	simm.s32 $_tile_overlayer_lowered  }
0x9d: {  	s22 =	simm.s32 $0x1BFF;
	s21 =	sshll.u32 s8, $0x1;
	s5 =	sadd.s32 s6, s19  }
0x9e: {  	s9 =	simm.s32 $0x0;
	s20 =	sshll.u32 s7, $0x1;
	s7 =	sadd.s32 s21, s5  }
0x9f: {  	[timem:s9], [sflag:s22] =	dma.local [hbm:s7], s20  }
0xa0: {  	_ =	swait.ge [sflag:s22], s20  }
0xa1: {  	s6 =	ssub.s32 $0x0, s20;
	[sflag:s22] =	ssyncset.done $0x0  }
0xa2: {  	[sflag:s22] =	ssyncadd.s32 s6;
	_ =	sdelay $0x1  }
0xa3: {  	s23 =	simm.s32 $0x1B8B  }
0xa4: {  	_ =	swait.ge [sflag:s23], $0x1  }
0xa5: {  	[sflag:s23] =	ssyncset.done $0x0  }
0xa6: {  	s25 =	simm.s32 $0x1B8E;
	s24 =	sld [smem:$0x3FFE];
	[sflag:s23] =	ssyncadd.s32 $0xFFFFFFFF  }
0xa7: {  	s26 =	simm.s32 $execute0_lowered;
	[smem:$0x3FD2] =	sst s25  }
0xa8: {  	s7 =	sshll.u32 s26, $0x1;
	_ =	strace $0x80000046;
	[dreg:$0x1] =	wrdreg $0xFFFFFFFF  }
0xa9: {  	s28 =	simm.s32 $_size_execute0_lowered;
	s5 =	sadd.s32 s5, s7;
	[dreg:$0x0] =	wrdreg $0x0  }
0xaa: {  	s7 =	sshll.u32 s28, $0x1;
	[dreg:$0x2] =	wrdreg s5  }
0xab: {  	[dreg:$0x3] =	wrdreg s7  }
0xac: {  	[dreg:$0x4] =	wrdreg $0xC0  }
0xad: {  	_ =	task [dreg:s9], $0x5FFFF  }
0xae: {  	[dreg:$0x1] =	wrdreg $0xFFFFFFFF  }
0xaf: {  	[dreg:$0x0] =	wrdreg $0x60  }
0xb0: {  	[dreg:$0x2] =	wrdreg s2  }
0xb1: {  	[dreg:$0x3] =	wrdreg s18  }
0xb2: {  	[dreg:$0x4] =	wrdreg s24  }
0xb3: {  	[dreg:$0x5] =	wrdreg s4  }
0xb4: {  	[dreg:$0x6] =	wrdreg $0x9  }
0xb5: {  	_ =	task.clear_ibuf [dreg:s9], $0x7FFFF;
	_ =	strace $0x90000046  }
0xb6: {  	s29 =	simm.s32 $0x9;
	_ =	strace $0x80000048  }
0xb7: {  	_ =	swait.ge [sflag:s29], $0x1  }
0xb8: {  	[sflag:s29] =	ssyncadd.s32 $0xFFFFFFFF  }
0xb9: {  	_ =	strace $0x90000048  }
0xba: {  	_ =	sfence  }
0xbb: {  	s30 =	sld [smem:$0x0];
	_ =	sdelay $0x2  }
0xbc: {  	s31 =	sshll.u32 s1, $0xD;
	s1 =	sshrl.u32 s1, $0x2  }
0xbd: {  	s3 =	sand.u32 $0x4000, s31;
	s1 =	sadd.s32 s1, s30  }
0xbe: {  	s0 =	sor.u32 s3, s0;
	s1 =	sshll.u32 s1, $0x11  }
0xbf: {  	s0 =	sor.u32 s1, s0  }
0xc0: {  	s0 =	sadd.s32 $0x8F2B, s0  }
0xc1: {  	[sflag:s0] =	ssyncadd.remote.s32 $0x1  }
0xc2: {  	_ =	sfence.sel $0xFFFF  }
0xc3: {  	[dreg:$0x0] =	wrdreg $0xFFFFFFFF;
	(pc) =	sbr.abs _section_cstart, $3  }
0xc4: {  	[dreg:$0x1] =	wrdreg $0xFFFFFFFF  }
0xc5: {  	_ =	task.clear_ibuf [dreg:s9], $0x2FFFF;
	_ =	strace $0x9FFFFFFF  }
0xc6: {  	(tm) =	ssettm $0x7FFFFFFF  }
0xc7: {  	_ =	shalt  }
tec
execute0_lowered:
.L_overlay_start_1:
0x0: {  	(tag) =	ssettag $0x1  }
0x1: {  	s0 =	rddreg [dreg:$0x0]  }
0x2: {  	s1 =	rddreg [dreg:$0x2]  }
0x3: {  	s2 =	rddreg [dreg:$0x3];
	s9 =	simm.s32 $0x0;
	s4 =	srdreg.scid  }
0x4: {  	s3 =	stileid.u32;
	[smem:$0x7FF] =	sst s9  }
0x5: {  	s5 =	sand.u32 $0x1, s4;
	s25 =	sshll.u32 s3, $0x8;
	s6 =	sshrl.u32 s3, $0x2  }
0x6: {  	s1 =	sadd.s32 $0x200, s1;
	_ =	strace $0x80000047;
	s7 =	sshll.u32 s5, $0x7  }
0x7: {  	s8 =	sand.u32 $0x300, s25;
	[dreg:$0x5] =	wrdreg s1;
	s5 =	ssub.s32 $0x2, s5  }
0x8: {  	s28 =	sshll.u32 s6, $0xF;
	s26 =	sor.u32 s7, s8;
	s29 =	sshrl.u32 s5, $0x1  }
0x9: {  	s6 =	sshll.u32 s6, $0xA;
	s7 =	sor.u32 s28, s26;
	s8 =	ssub.s32 s5, s29  }
0xa: {  	s1 =	sor.u32 s6, s26;
	s7 =	sshrl.u32 s7, $0x3;
	s31 =	smax.u32 s8, $0x1  }
0xb: {  	s30 =	sshrl.u32 s1, $0x3;
	s0 =	sadd.s32 s0, s7;
	[dreg:$0x8] =	wrdreg s31  }
0xc: {  	[dreg:$0x6] =	wrdreg s0;
	s0 =	sadd.s32 s2, s30  }
0xd: {  	s3 =	simm.s32 $0x1;
	s1 =	simm.s32 $0x0;
	[dreg:$0x7] =	wrdreg s0  }
.LBB2_1:
0xe: {  	[dreg:$0x9] =	wrdreg s1  }
0xf: {  	s0 =	rddreg [dreg:$0x6];
	s22 =	simm.s32 $0x80;
	s2 =	simm.s32 $0x400  }
0x10: {  	[tilespmem:s9], [sflag:$0x1] =	stream.strided.gather [hbm4b:s0+s22], $0x1000, s2, s22, $0x38;
	[tilespmem:$0x9100] =	vst v63  }
0x11: {  	_ =	swait.ge [sflag:s3], $0x1000  }
0x12: {  	[sflag:s3] =	ssyncset.done $0x0  }
0x13: {  	[sflag:s3] =	ssyncadd.s32 $0xFFFFF000  }
0x14: {  	s24 =	simm.s32 $0x1000;
	s23 =	rddreg [dreg:$0x1]  }
0x15: {  	[tilespmem:s24], [sflag:$0x1] =	stream.linear.gather [hbm4b:s23+s9], $0x8000, $0x38;
	[tilespmem:$0x9100] =	vst v63  }
0x16: {  	_ =	swait.ge [sflag:s3], $0x8000  }
0x17: {  	[sflag:s3] =	ssyncset.done $0x0  }
0x18: {  	s26 =	simm.s32 $0x9000;
	s25 =	rddreg [dreg:$0x5];
	[sflag:s3] =	ssyncadd.s32 $0xFFFF8000  }
0x19: {  	[tilespmem:s26], [sflag:$0x1] =	stream.linear.gather [hbm4b:s25+s9], $0x80, $0x38;
	[tilespmem:$0x9100] =	vst v63  }
0x1a: {  	s28 =	sand.u32 $0x7, s9;
	_ =	swait.ge [sflag:s3], $0x80  }
0x1b: {  	s0 =	sshll.u32 s28, $0x4;
	[sflag:s3] =	ssyncset.done $0x0  }
0x1c: {  	s0 =	sadd.s32 $0x0, s0;
	[sflag:s3] =	ssyncadd.s32 $0xFFFFFF80  }
0x1d: {  	s29 =	sand.u32 $0x70, s9;
	s30 =	sand.u32 $0x7C00, s9;
	s0 =	sor.u32 $0x380, s0;
	v2 =	vld [tilespmem:s9+$0x0]  }
0x1e: {  	s17 =	sor.u32 s29, s30;
	v1 =	vld [tilespmem:s0+$0x1000]  }
0x1f: {  	v15 =	vld [tilespmem:s17+$0x1000]  }
0x20: {  	v13 =	vld [tilespmem:s17+$0x1080]  }
0x21: {  	v0 =	vimm.f32 $0.0e+00;
	s31 =	simm.s32 $0x10;
	v14 =	vimm.f32 $0.0e+00;
	v12 =	vimm.f32 $0.0e+00;
	v11 =	vld [tilespmem:s17+$0x1100]  }
0x22: {  	v10 =	vimm.f32 $0.0e+00;
	v8 =	vimm.f32 $0.0e+00;
	s16 =	simm.s32 $0x0;
	s1 =	simm.s32 $0x0;
	v6 =	vimm.f32 $0.0e+00;
	s0 =	simm.s32 $0x1;
	v9 =	vld [tilespmem:s17+$0x1180]  }
0x23: {  	v5 =	vimm.f32 $0.0e+00;
	v4 =	vimm.f32 $0.0e+00;
	s18 =	sand.u32 $0x70, s31;
	s2 =	simm.s32 $0x20;
	v7 =	vld [tilespmem:s17+$0x1200];
	s15 =	sand.u32 $0x7, s0;
	v1 =	vmul.f32 v1, v2  }
.LBB2_2:
0x24: {  	p0 =	sne.s32 s2, $0xFF0;
	s15 =	sshll.u32 s15, $0x4;
	v3 =	vmul.f32 v15, v2;
	v16 =	vld [tilespmem:s17+$0x1280];
	s16 =	sadd.s32 $0x80, s16  }
0x25: {  	s1 =	sadd.s32 $0x10, s1;
	s15 =	sadd.s32 s15, s16;
	s19 =	sand.u32 $0x7C00, s16;
	v13 =	vmul.f32 v13, v2;
	v17 =	vld [tilespmem:s17+$0x1300];
	v0 =	vadd.f32 v1, v0  }
0x26: {  	v1 =	vld [tilespmem:s1+$0x0];
	s17 =	sor.u32 s18, s19;
	s15 =	sor.u32 $0x380, s15;
	v14 =	vadd.f32 v3, v14;
	v3 =	vmul.f32 v11, v2  }
0x27: {  	v18 =	vld [tilespmem:s15+$0x1000];
	v12 =	vadd.f32 v13, v12;
	v9 =	vmul.f32 v9, v2  }
.Ltmp0:
0x28: {  	v15 =	vld [tilespmem:s17+$0x1000];
	v10 =	vadd.f32 v3, v10;
	v3 =	vmul.f32 v7, v2;
	(pc) =	sbr.rel @p0 .LBB2_2-.Ltmp0, $4  }
0x29: {  	v13 =	vld [tilespmem:s17+$0x1080];
	v8 =	vadd.f32 v9, v8;
	v7 =	vmul.f32 v16, v2  }
0x2a: {  	v11 =	vld [tilespmem:s17+$0x1100];
	v6 =	vadd.f32 v3, v6;
	v3 =	vmul.f32 v17, v2  }
0x2b: {  	s0 =	sadd.s32 $0x1, s0;
	v9 =	vld [tilespmem:s17+$0x1180];
	v5 =	vadd.f32 v7, v5;
	v2 =	vmov v1  }
0x2c: {  	s18 =	sand.u32 $0x70, s2;
	s2 =	sadd.s32 $0x10, s2;
	s15 =	sand.u32 $0x7, s0;
	v7 =	vld [tilespmem:s17+$0x1200];
	v1 =	vmul.f32 v18, v2;
	v4 =	vadd.f32 v3, v4  }
0x2d: {  	s19 =	sadd.s32 $0x80, s16  }
0x2e: {  	s1 =	sadd.s32 $0x10, s1;
	s0 =	sand.u32 $0x7C00, s19  }
0x2f: {  	v3 =	vld [tilespmem:s1+$0x0];
	s20 =	sor.u32 s18, s0  }
0x30: {  	v16 =	vld [tilespmem:s20+$0x1000];
	_ =	sdelay $0x2  }
0x31: {  	v15 =	vmul.f32 v15, v2;
	_ =	sdelay $0x1  }
0x32: {  	v14 =	vadd.f32 v15, v14;
	v42 =	vmul.f32 v16, v3;
	_ =	sdelay $0x1  }
0x33: {  	v14 =	vadd.f32 v42, v14;
	_ =	sdelay $0x1  }
0x34: {  	(v2sf) =	vpush v14, $0x0  }
0x35: {  	(v2sf) =	vpush v14, $0x1  }
0x36: {  	(v2sf) =	vpush v14, $0x2  }
0x37: {  	(v2sf) =	vpush v14, $0x3  }
0x38: {  	(v2sf) =	vpush v14, $0x4  }
0x39: {  	(v2sf) =	vpush v14, $0x5  }
0x3a: {  	(v2sf) =	vpush v14, $0x6  }
0x3b: {  	v43 =	vld [tilespmem:s20+$0x1080];
	(v2sf) =	vpush v14, $0x7  }
0x3c: {  	(v2sf) =	vpush v14, $0x8  }
0x3d: {  	(v2sf) =	vpush v14, $0x9  }
0x3e: {  	v13 =	vmul.f32 v13, v2;
	(v2sf) =	vpush v14, $0xA  }
0x3f: {  	(v2sf) =	vpush v14, $0xB  }
0x40: {  	v12 =	vadd.f32 v13, v12;
	v44 =	vmul.f32 v43, v3;
	(v2sf) =	vpush v14, $0xC  }
0x41: {  	(v2sf) =	vpush v14, $0xD  }
0x42: {  	v12 =	vadd.f32 v44, v12;
	(v2sf) =	vpush v14, $0xE  }
0x43: {  	s5 =	spop (v2sf);
	(v2sf) =	vpush v14, $0xF  }
0x44: {  	s2 =	spop (v2sf);
	(v2sf) =	vpush v12, $0x0  }
0x45: {  	s29 =	spop (v2sf);
	(v2sf) =	vpush v12, $0x1  }
0x46: {  	s30 =	spop (v2sf);
	(v2sf) =	vpush v12, $0x2  }
0x47: {  	s31 =	spop (v2sf);
	(v2sf) =	vpush v12, $0x3  }
0x48: {  	s8 =	spop (v2sf);
	(v2sf) =	vpush v12, $0x4  }
0x49: {  	s6 =	spop (v2sf);
	(v2sf) =	vpush v12, $0x5  }
0x4a: {  	s28 =	spop (v2sf);
	(v2sf) =	vpush v12, $0x6  }
0x4b: {  	v45 =	vld [tilespmem:s20+$0x1100];
	s26 =	spop (v2sf);
	(v2sf) =	vpush v12, $0x7  }
0x4c: {  	s25 =	spop (v2sf);
	(v2sf) =	vpush v12, $0x8  }
0x4d: {  	s24 =	spop (v2sf);
	(v2sf) =	vpush v12, $0x9  }
0x4e: {  	v11 =	vmul.f32 v11, v2;
	s23 =	spop (v2sf);
	(v2sf) =	vpush v12, $0xA  }
0x4f: {  	s22 =	spop (v2sf);
	(v2sf) =	vpush v12, $0xB  }
0x50: {  	v10 =	vadd.f32 v11, v10;
	v46 =	vmul.f32 v45, v3;
	s21 =	spop (v2sf);
	(v2sf) =	vpush v12, $0xC  }
0x51: {  	s18 =	spop (v2sf);
	(v2sf) =	vpush v12, $0xD  }
0x52: {  	v10 =	vadd.f32 v46, v10;
	s16 =	spop (v2sf);
	(v2sf) =	vpush v12, $0xE  }
0x53: {  	s9 =	spop (v2sf);
	(v2sf) =	vpush v12, $0xF  }
0x54: {  	s1 =	sadd.f32 s2, s5;
	s11 =	spop (v2sf);
	(v2sf) =	vpush v10, $0x0  }
0x55: {  	s12 =	spop (v2sf);
	(v2sf) =	vpush v10, $0x1  }
0x56: {  	s1 =	sadd.f32 s1, s29;
	s7 =	spop (v2sf);
	(v2sf) =	vpush v10, $0x2  }
0x57: {  	s13 =	spop (v2sf);
	(v2sf) =	vpush v10, $0x3  }
0x58: {  	s1 =	sadd.f32 s1, s30;
	s10 =	spop (v2sf);
	(v2sf) =	vpush v10, $0x4  }
0x59: {  	s4 =	spop (v2sf);
	(v2sf) =	vpush v10, $0x5  }
0x5a: {  	s1 =	sadd.f32 s1, s31;
	s14 =	spop (v2sf);
	(v2sf) =	vpush v10, $0x6  }
0x5b: {  	v47 =	vld [tilespmem:s20+$0x1180];
	s9 =	sadd.f32 s11, s9;
	s11 =	spop (v2sf);
	(v2sf) =	vpush v10, $0x7  }
0x5c: {  	s1 =	sadd.f32 s1, s8;
	s5 =	spop (v2sf);
	(v2sf) =	vpush v10, $0x8  }
0x5d: {  	s9 =	sadd.f32 s9, s12;
	s12 =	spop (v2sf);
	(v2sf) =	vpush v10, $0x9  }
0x5e: {  	v9 =	vmul.f32 v9, v2;
	s0 =	sadd.f32 s1, s6;
	s8 =	spop (v2sf);
	(v2sf) =	vpush v10, $0xA  }
0x5f: {  	s2 =	sadd.f32 s9, s7;
	s9 =	spop (v2sf);
	(v2sf) =	vpush v10, $0xB  }
0x60: {  	v8 =	vadd.f32 v9, v8;
	v48 =	vmul.f32 v47, v3;
	s28 =	sadd.f32 s0, s28;
	s6 =	spop (v2sf);
	(v2sf) =	vpush v10, $0xC  }
0x61: {  	s2 =	sadd.f32 s2, s13;
	s1 =	spop (v2sf);
	(v2sf) =	vpush v10, $0xD  }
0x62: {  	v8 =	vadd.f32 v48, v8;
	s13 =	sadd.f32 s28, s26;
	s0 =	spop (v2sf);
	(v2sf) =	vpush v10, $0xE  }
0x63: {  	s2 =	sadd.f32 s2, s10;
	s7 =	spop (v2sf);
	(v2sf) =	vpush v10, $0xF  }
0x64: {  	s13 =	sadd.f32 s13, s25;
	s3 =	spop (v2sf);
	(v2sf) =	vpush v8, $0x0  }
0x65: {  	s2 =	sadd.f32 s2, s4;
	s4 =	spop (v2sf);
	(v2sf) =	vpush v8, $0x1  }
0x66: {  	s13 =	sadd.f32 s13, s24;
	s10 =	spop (v2sf);
	(v2sf) =	vpush v8, $0x2  }
0x67: {  	s31 =	sadd.f32 s2, s14;
	s14 =	spop (v2sf);
	(v2sf) =	vpush v8, $0x3  }
0x68: {  	s13 =	sadd.f32 s13, s23;
	s2 =	spop (v2sf);
	(v2sf) =	vpush v8, $0x4  }
0x69: {  	s11 =	sadd.f32 s31, s11;
	s31 =	spop (v2sf);
	(v2sf) =	vpush v8, $0x5  }
0x6a: {  	s25 =	sadd.f32 s13, s22;
	s30 =	spop (v2sf);
	(v2sf) =	vpush v8, $0x6  }
0x6b: {  	v49 =	vld [tilespmem:s20+$0x1200];
	s5 =	sadd.f32 s11, s5;
	s29 =	spop (v2sf);
	(v2sf) =	vpush v8, $0x7  }
0x6c: {  	s11 =	sadd.f32 s25, s21;
	s28 =	spop (v2sf);
	(v2sf) =	vpush v8, $0x8  }
0x6d: {  	s5 =	sadd.f32 s5, s12;
	s26 =	spop (v2sf);
	(v2sf) =	vpush v8, $0x9  }
0x6e: {  	v7 =	vmul.f32 v7, v2;
	s3 =	sadd.f32 s3, s7;
	s25 =	spop (v2sf);
	(v2sf) =	vpush v8, $0xA  }
0x6f: {  	s5 =	sadd.f32 s5, s8;
	s24 =	spop (v2sf);
	(v2sf) =	vpush v8, $0xB  }
0x70: {  	v6 =	vadd.f32 v7, v6;
	v50 =	vmul.f32 v49, v3;
	s11 =	sadd.f32 s11, s18;
	s23 =	spop (v2sf);
	(v2sf) =	vpush v8, $0xC  }
0x71: {  	s5 =	sadd.f32 s5, s9;
	s22 =	spop (v2sf);
	(v2sf) =	vpush v8, $0xD  }
0x72: {  	v6 =	vadd.f32 v50, v6;
	s3 =	sadd.f32 s3, s4;
	s21 =	spop (v2sf);
	(v2sf) =	vpush v8, $0xE  }
0x73: {  	s5 =	sadd.f32 s5, s6;
	s12 =	spop (v2sf);
	(v2sf) =	vpush v8, $0xF  }
0x74: {  	s16 =	sadd.f32 s11, s16;
	s13 =	spop (v2sf);
	(v2sf) =	vpush v6, $0x0  }
0x75: {  	s1 =	sadd.f32 s5, s1;
	s5 =	spop (v2sf);
	(v2sf) =	vpush v6, $0x1  }
0x76: {  	s10 =	sadd.f32 s3, s10;
	s9 =	spop (v2sf);
	(v2sf) =	vpush v6, $0x2  }
0x77: {  	s18 =	sadd.f32 s1, s0;
	s8 =	spop (v2sf);
	(v2sf) =	vpush v6, $0x3  }
0x78: {  	s1 =	sadd.f32 s10, s14;
	s11 =	spop (v2sf);
	(v2sf) =	vpush v6, $0x4  }
0x79: {  	v51 =	vld [tilespmem:s17+$0x1280];
	s6 =	sadd.f32 s13, s12;
	s12 =	spop (v2sf);
	(v2sf) =	vpush v6, $0x5  }
0x7a: {  	s1 =	sadd.f32 s1, s2;
	s13 =	spop (v2sf);
	(v2sf) =	vpush v6, $0x6  }
0x7b: {  	v52 =	vld [tilespmem:s20+$0x1280];
	s5 =	sadd.f32 s6, s5;
	s14 =	spop (v2sf);
	(v2sf) =	vpush v6, $0x7  }
0x7c: {  	s1 =	sadd.f32 s1, s31;
	s2 =	spop (v2sf);
	(v2sf) =	vpush v6, $0x8  }
0x7d: {  	s4 =	sadd.f32 s5, s9;
	s5 =	spop (v2sf);
	(v2sf) =	vpush v6, $0x9  }
0x7e: {  	v7 =	vmul.f32 v51, v2;
	s1 =	sadd.f32 s1, s30;
	s9 =	spop (v2sf);
	(v2sf) =	vpush v6, $0xA  }
0x7f: {  	s0 =	sadd.f32 s4, s8;
	s4 =	spop (v2sf);
	(v2sf) =	vpush v6, $0xB  }
0x80: {  	v5 =	vadd.f32 v7, v5;
	v53 =	vmul.f32 v52, v3;
	s1 =	sadd.f32 s1, s29;
	s10 =	spop (v2sf);
	(v2sf) =	vpush v6, $0xC  }
0x81: {  	s0 =	sadd.f32 s0, s11;
	s3 =	spop (v2sf);
	(v2sf) =	vpush v6, $0xD  }
0x82: {  	v5 =	vadd.f32 v53, v5;
	s1 =	sadd.f32 s1, s28;
	s11 =	spop (v2sf);
	(v2sf) =	vpush v6, $0xE  }
0x83: {  	s0 =	sadd.f32 s0, s12;
	s7 =	spop (v2sf);
	(v2sf) =	vpush v6, $0xF  }
0x84: {  	s1 =	sadd.f32 s1, s26;
	s12 =	spop (v2sf);
	(v2sf) =	vpush v5, $0x0  }
0x85: {  	s0 =	sadd.f32 s0, s13;
	s13 =	spop (v2sf);
	(v2sf) =	vpush v5, $0x1  }
0x86: {  	s1 =	sadd.f32 s1, s25;
	s31 =	spop (v2sf);
	(v2sf) =	vpush v5, $0x2  }
0x87: {  	s0 =	sadd.f32 s0, s14;
	s6 =	spop (v2sf);
	(v2sf) =	vpush v5, $0x3  }
0x88: {  	s1 =	sadd.f32 s1, s24;
	s14 =	spop (v2sf);
	(v2sf) =	vpush v5, $0x4  }
0x89: {  	v54 =	vld [tilespmem:s17+$0x1300];
	s2 =	sadd.f32 s0, s2;
	s0 =	spop (v2sf);
	(v2sf) =	vpush v5, $0x5  }
0x8a: {  	s30 =	spop (v2sf);
	(v2sf) =	vpush v5, $0x6  }
0x8b: {  	v55 =	vld [tilespmem:s20+$0x1300];
	s1 =	sadd.f32 s1, s23;
	s29 =	spop (v2sf);
	(v2sf) =	vpush v5, $0x7  }
0x8c: {  	s2 =	sadd.f32 s2, s5;
	s28 =	spop (v2sf);
	(v2sf) =	vpush v5, $0x8  }
0x8d: {  	s1 =	sadd.f32 s1, s22;
	s26 =	spop (v2sf);
	(v2sf) =	vpush v5, $0x9  }
0x8e: {  	v56 =	vmul.f32 v54, v2;
	s2 =	sadd.f32 s2, s9;
	s25 =	spop (v2sf);
	(v2sf) =	vpush v5, $0xA  }
0x8f: {  	s7 =	sadd.f32 s12, s7;
	s23 =	spop (v2sf);
	(v2sf) =	vpush v5, $0xB  }
0x90: {  	v2 =	vadd.f32 v56, v4;
	v57 =	vmul.f32 v55, v3;
	s2 =	sadd.f32 s2, s4;
	s24 =	spop (v2sf);
	(v2sf) =	vpush v5, $0xC  }
0x91: {  	s17 =	sadd.f32 s1, s21;
	s22 =	spop (v2sf);
	(v2sf) =	vpush v5, $0xD  }
0x92: {  	v2 =	vadd.f32 v57, v2;
	s5 =	sadd.f32 s2, s10;
	s21 =	spop (v2sf);
	(v2sf) =	vpush v5, $0xE  }
0x93: {  	s2 =	sadd.f32 s7, s13;
	s9 =	spop (v2sf);
	(v2sf) =	vpush v5, $0xF  }
0x94: {  	s1 =	sadd.f32 s5, s3;
	s10 =	spop (v2sf);
	(v2sf) =	vpush v2, $0x0  }
0x95: {  	s2 =	sadd.f32 s2, s31;
	s12 =	spop (v2sf);
	(v2sf) =	vpush v2, $0x1  }
0x96: {  	s20 =	sadd.f32 s1, s11;
	s31 =	spop (v2sf);
	(v2sf) =	vpush v2, $0x2  }
0x97: {  	s3 =	sadd.f32 s10, s9;
	s8 =	spop (v2sf);
	(v2sf) =	vpush v2, $0x3  }
0x98: {  	s2 =	sadd.f32 s2, s6;
	s9 =	sshll.u32 s15, $0x4;
	s10 =	spop (v2sf);
	(v2sf) =	vpush v2, $0x4  }
0x99: {  	s7 =	sadd.s32 s9, s19;
	s1 =	sadd.f32 s3, s12;
	s11 =	spop (v2sf);
	(v2sf) =	vpush v2, $0x5  }
0x9a: {  	s2 =	sadd.f32 s2, s14;
	s7 =	sor.u32 $0x380, s7;
	s12 =	spop (v2sf);
	(v2sf) =	vpush v2, $0x6  }
0x9b: {  	v58 =	vld [tilespmem:s7+$0x1000];
	s1 =	sadd.f32 s1, s31;
	s13 =	spop (v2sf);
	(v2sf) =	vpush v2, $0x7  }
0x9c: {  	s0 =	sadd.f32 s2, s0;
	s14 =	spop (v2sf);
	(v2sf) =	vpush v2, $0x8  }
0x9d: {  	s1 =	sadd.f32 s1, s8;
	s15 =	spop (v2sf);
	(v2sf) =	vpush v2, $0x9  }
0x9e: {  	s0 =	sadd.f32 s0, s30;
	s30 =	spop (v2sf);
	(v2sf) =	vpush v2, $0xA  }
0x9f: {  	s1 =	sadd.f32 s1, s10;
	s31 =	spop (v2sf);
	(v2sf) =	vpush v2, $0xB  }
0xa0: {  	v0 =	vadd.f32 v1, v0;
	s0 =	sadd.f32 s0, s29;
	v59 =	vmul.f32 v58, v3;
	s9 =	spop (v2sf);
	(v2sf) =	vpush v2, $0xC  }
0xa1: {  	s1 =	sadd.f32 s1, s11;
	s3 =	spop (v2sf);
	(v2sf) =	vpush v2, $0xD  }
0xa2: {  	s0 =	sadd.f32 s0, s28;
	v0 =	vadd.f32 v59, v0;
	s10 =	spop (v2sf);
	(v2sf) =	vpush v2, $0xE  }
0xa3: {  	s1 =	sadd.f32 s1, s12;
	s11 =	spop (v2sf);
	(v2sf) =	vpush v2, $0xF  }
0xa4: {  	s0 =	sadd.f32 s0, s26;
	s19 =	spop (v2sf);
	(v2sf) =	vpush v0, $0x0  }
0xa5: {  	s1 =	sadd.f32 s1, s13;
	s12 =	spop (v2sf);
	(v2sf) =	vpush v0, $0x1  }
0xa6: {  	s0 =	sadd.f32 s0, s25;
	s13 =	spop (v2sf)  }
0xa7: {  	s1 =	sadd.f32 s1, s14;
	(v2sf) =	vpush v0, $0x2;
	s14 =	spop (v2sf)  }
0xa8: {  	s0 =	sadd.f32 s0, s23;
	s25 =	spop (v2sf)  }
0xa9: {  	s1 =	sadd.f32 s1, s15;
	(v2sf) =	vpush v0, $0x3;
	s26 =	spop (v2sf)  }
0xaa: {  	s0 =	sadd.f32 s0, s24;
	s28 =	spop (v2sf)  }
0xab: {  	(v2sf) =	vpush v0, $0x4;
	s1 =	sadd.f32 s1, s30;
	s29 =	spop (v2sf)  }
0xac: {  	s0 =	sadd.f32 s0, s22;
	s30 =	spop (v2sf)  }
0xad: {  	s1 =	sadd.f32 s1, s31;
	(v2sf) =	vpush v0, $0x5;
	s31 =	spop (v2sf)  }
0xae: {  	s15 =	sadd.f32 s0, s21;
	s0 =	spop (v2sf)  }
0xaf: {  	s1 =	sadd.f32 s1, s9;
	(v2sf) =	vpush v0, $0x6;
	s9 =	spop (v2sf)  }
0xb0: {  	s8 =	sadd.f32 s19, s11;
	s11 =	spop (v2sf)  }
0xb1: {  	(v2sf) =	vpush v0, $0x7;
	s1 =	sadd.f32 s1, s3;
	s3 =	spop (v2sf)  }
0xb2: {  	s5 =	sadd.f32 s8, s12;
	s8 =	spop (v2sf)  }
0xb3: {  	(v2sf) =	vpush v0, $0x8;
	s19 =	sadd.f32 s1, s10;
	s10 =	spop (v2sf)  }
0xb4: {  	s5 =	sadd.f32 s5, s13;
	s21 =	spop (v2sf)  }
0xb5: {  	(v2sf) =	vpush v0, $0x9;
	s1 =	sadd.f32 s21, s10  }
0xb6: {  	s2 =	sadd.f32 s5, s14;
	s23 =	spop (v2sf)  }
0xb7: {  	(v2sf) =	vpush v0, $0xA;
	s1 =	sadd.f32 s1, s23  }
0xb8: {  	s2 =	sadd.f32 s2, s25;
	s24 =	spop (v2sf)  }
0xb9: {  	(v2sf) =	vpush v0, $0xB;
	s1 =	sadd.f32 s1, s24  }
0xba: {  	s2 =	sadd.f32 s2, s26;
	s25 =	spop (v2sf)  }
0xbb: {  	(v2sf) =	vpush v0, $0xC;
	s1 =	sadd.f32 s1, s25  }
0xbc: {  	s2 =	sadd.f32 s2, s28;
	s26 =	spop (v2sf)  }
0xbd: {  	(v2sf) =	vpush v0, $0xD;
	s1 =	sadd.f32 s1, s26  }
0xbe: {  	s2 =	sadd.f32 s2, s29;
	s28 =	spop (v2sf)  }
0xbf: {  	(v2sf) =	vpush v0, $0xE;
	s1 =	sadd.f32 s1, s28  }
0xc0: {  	s2 =	sadd.f32 s2, s30;
	s29 =	spop (v2sf)  }
0xc1: {  	(v2sf) =	vpush v0, $0xF;
	s1 =	sadd.f32 s1, s29  }
0xc2: {  	s2 =	sadd.f32 s2, s31;
	s30 =	spop (v2sf)  }
0xc3: {  	s1 =	sadd.f32 s1, s30  }
0xc4: {  	s0 =	sadd.f32 s2, s0;
	s31 =	spop (v2sf)  }
0xc5: {  	s1 =	sadd.f32 s1, s31  }
0xc6: {  	s0 =	sadd.f32 s0, s9;
	s5 =	spop (v2sf)  }
0xc7: {  	s1 =	sadd.f32 s1, s5  }
0xc8: {  	s0 =	sadd.f32 s0, s11;
	s6 =	spop (v2sf)  }
0xc9: {  	s1 =	sadd.f32 s1, s6  }
0xca: {  	s0 =	sadd.f32 s0, s3;
	s7 =	spop (v2sf)  }
0xcb: {  	s1 =	sadd.f32 s1, s7  }
0xcc: {  	s8 =	sadd.f32 s0, s8;
	s9 =	spop (v2sf)  }
0xcd: {  	s10 =	smax.f32 s16, s18;
	s0 =	sadd.f32 s1, s9  }
0xce: {  	s11 =	spop (v2sf);
	s1 =	smax.f32 s10, s17  }
0xcf: {  	s1 =	smax.f32 s1, s20;
	s0 =	sadd.f32 s0, s11  }
0xd0: {  	s12 =	spop (v2sf);
	s1 =	smax.f32 s1, s15  }
0xd1: {  	v60 =	vld [tilespmem:$0x9000];
	s14 =	smax.f32 s1, s19;
	s13 =	sadd.f32 s0, s12  }
0xd2: {  	s0 =	smax.f32 s14, s8  }
0xd3: {  	s4 =	smov.u32 s20;
	s0 =	smax.f32 s0, s13  }
0xd4: {  	s2 =	smov.u32 s18;
	s3 =	smov.u32 s17;
	p1 =	seq.f32 s16, s0  }
0xd5: {  	s5 =	smov.u32 s15;
	p6 =	seq.f32 s18, s0;
	p0 =	seq.f32 s19, s0  }
0xd6: {  	(v2sf) =	vpush v60, $0x0;
	s1 =	smov.u32 s16;
	p5 =	seq.f32 s17, s0;
	p4 =	seq.f32 s20, s0  }
0xd7: {  	p3 =	seq.f32 s15, s0;
	p2 =	seq.f32 s8, s0;
	s6 =	simm.s32 @!p0 $0x0  }
0xd8: {  	s1 =	simm.s32 @p1 $0xFF7FFFFF;
	s2 =	simm.s32 @p6 $0xFF7FFFFF;
	s6 =	simm.s32 @p0 $0x1  }
0xd9: {  	(v2sf) =	vpush v60, $0x1;
	s3 =	simm.s32 @p5 $0xFF7FFFFF;
	[smem:$0x7FC] =	sst s6;
	s6 =	smov.u32 s19  }
0xda: {  	s1 =	smax.f32 s1, s2;
	s6 =	simm.s32 @p0 $0xFF7FFFFF;
	p0 =	seq.f32 s13, s0  }
0xdb: {  	s4 =	simm.s32 @p4 $0xFF7FFFFF;
	s5 =	simm.s32 @p3 $0xFF7FFFFF;
	s1 =	smax.f32 s1, s3  }
0xdc: {  	s2 =	smov.u32 s8;
	s1 =	smax.f32 s1, s4;
	s3 =	simm.s32 @!p0 $0x0  }
0xdd: {  	(v2sf) =	vpush v60, $0x2;
	s2 =	simm.s32 @p2 $0xFF7FFFFF;
	s1 =	smax.f32 s1, s5;
	s3 =	simm.s32 @p0 $0x1  }
0xde: {  	s1 =	smax.f32 s1, s6;
	[smem:$0x7FD] =	sst s3;
	s3 =	smov.u32 s13  }
0xdf: {  	s1 =	smax.f32 s1, s2;
	s3 =	simm.s32 @p0 $0xFF7FFFFF  }
0xe0: {  	(v2sf) =	vpush v60, $0x3;
	s1 =	smax.f32 s1, s3  }
0xe1: {  	s0 =	ssub.f32 s1, s0;
	_ =	sdelay $0x1  }
0xe2: {  	(v2sf) =	vpush v60, $0x4;
	v61 =	vmov s0  }
0xe3: {  	v1 =	vmul.f32 $1.442695020e+00, v61  }
0xe4: {  	s23 =	spop (v2sf);
	(v2sf) =	vpush v60, $0x5  }
0xe5: {  	v1 =	vbroadcast v1, $0x0;
	_ =	sdelay $0x1  }
0xe6: {  	s3 =	spop (v2sf);
	(v2sf) =	vpush v60, $0x6;
	(erf) = vpow2.f32 v1  }
0xe7: {  	p0 =	seq.f32 s16, s1;
	s0 =	sadd.f32 $0.0e+00, s23  }
0xe8: {  	s24 =	sld [smem:$0x7FC]  }
0xe9: {  	s2 =	smov.u32 s0;
	s0 =	simm.s32 @!p0 $0x0;
	p0 =	seq.f32 s18, s1  }
0xea: {  	s25 =	sld [smem:$0x7FD];
	s4 =	smov.u32 s3;
	s5 =	spop (v2sf);
	(v2sf) =	vpush v60, $0x7  }
0xeb: {  	s4 =	simm.s32 @!p6 $0x0;
	s2 =	simm.s32 @!p1 $0x0;
	s3 =	simm.s32 @!p0 $0x0  }
0xec: {  	s2 =	sadd.f32 s2, s4;
	s4 =	smov.u32 s5;
	p0 =	seq.f32 s17, s1  }
0xed: {  	s6 =	spop (v2sf);
	s4 =	simm.s32 @!p5 $0x0;
	s0 =	sadd.f32 s0, s3  }
0xee: {  	s3 =	smov.u32 s6;
	s5 =	simm.s32 @!p0 $0x0;
	p0 =	seq.f32 s20, s1  }
0xef: {  	p1 =	seq.s32 s24, $0x1;
	s2 =	sadd.f32 s2, s4;
	s3 =	simm.s32 @!p4 $0x0;
	v62 =	vpop (erf)  }
0xf0: {  	s4 =	spop (v2sf);
	s0 =	sadd.f32 s0, s5;
	s6 =	simm.s32 @!p0 $0x0;
	v0 =	vadd.f32 $1.000000000e+00, v62  }
0xf1: {  	s2 =	sadd.f32 s2, s3;
	s3 =	smov.u32 s4;
	p0 =	seq.f32 s15, s1  }
0xf2: {  	s5 =	spop (v2sf);
	s3 =	simm.s32 @!p3 $0x0;
	s0 =	sadd.f32 s0, s6;
	(erf) = vrcp.f32 v0  }
0xf3: {  	s6 =	smov.u32 s5;
	s4 =	simm.s32 @!p0 $0x0;
	p0 =	seq.f32 s19, s1  }
0xf4: {  	s6 =	simm.s32 @!p1 $0x0;
	s2 =	sadd.f32 s2, s3  }
0xf5: {  	s0 =	sadd.f32 s0, s4;
	s5 =	simm.s32 @!p0 $0x0;
	s3 =	spop (v2sf)  }
0xf6: {  	s2 =	sadd.f32 s2, s6;
	p0 =	seq.f32 s8, s1;
	s4 =	smov.u32 s3  }
0xf7: {  	s0 =	sadd.f32 s0, s5;
	s4 =	simm.s32 @!p2 $0x0  }
0xf8: {  	s3 =	simm.s32 @!p0 $0x0;
	p0 =	seq.f32 s13, s1;
	s2 =	sadd.f32 s2, s4  }
0xf9: {  	s4 =	spop (v2sf);
	s0 =	sadd.f32 s0, s3  }
0xfa: {  	p1 =	seq.s32 s25, $0x1;
	s5 =	smov.u32 s4;
	s4 =	simm.s32 @!p0 $0x0  }
0xfb: {  	s5 =	simm.s32 @!p1 $0x0;
	s0 =	sadd.f32 s0, s4;
	v0 =	vpop (erf)  }
0xfc: {  	s26 =	sadd.f32 s2, s5;
	v63 =	vadd.f32 $-1.000000000e+00, v0;
	_ =	sdelay $0x1  }
0xfd: {  	v0 =	vmul.f32 s26, v0;
	v1 =	vmul.f32 s0, v63;
	_ =	sdelay $0x1  }
0xfe: {  	v0 =	vsub.f32 v0, v1  }
0xff: {  	s28 =	rddreg [dreg:$0x7]  }
0x100: {  	s29 =	simm.s32 $0x9080;
	s9 =	simm.s32 $0x0;
	s3 =	simm.s32 $0x1;
	[tilespmem:$0x9080] =	vst v0  }
0x101: {  	[hbm4b:s28+s9] =	stream.linear.scatter [tilespmem:s29], [sflag:$0x1], $0x80, $0x38;
	[tilespmem:$0x9100] =	vst v63  }
0x102: {  	_ =	swait.ge [sflag:s3], $0x80  }
0x103: {  	s30 =	rddreg [dreg:$0x9]  }
0x104: {  	s31 =	rddreg [dreg:$0x8];
	s1 =	sadd.s32 $0x1, s30  }
0x105: {  	p0 =	sne.s32 s1, s31  }
.Ltmp1:
0x106: {  	_ = 	snop;
	(pc) =	sbr.rel @p0 .LBB2_1-.Ltmp1, $3  }
0x107: {  	_ =	sdelay $0x1  }
0x108: {  	[sflag:s3] =	ssyncset.done $0x0  }
0x109: {  	[sflag:s3] =	ssyncadd.s32 $0xFFFFFF80  }
0x10a: {  	_ =	sfence.sel $0x180000  }
0x10b: {  	[bflag:$0x0] =	sbarrier.arrive $0xFFFF  }
0x10c: {  	_ =	strace $0x90000047  }
0x10d: {  	s0 =	stileid.u32;
	[bflag:$0x2] =	sbarrier.arrive $0xFFFF  }
0x10e: {  	p0 =	sne.s32 s0, $0x0;
	s0 =	rddreg [dreg:$0x4]  }
0x10f: {  	s0 =	sadd.s32 @!p0 $0x100000, s0  }
0x110: {  	[sflag:s0] =	ssyncadd.tile.s32 @!p0 $0x1;
	_ =	shalt  }
.Lfunc_end2:
_tile_overlayer_lowered:
.L_overlay_start_2:
0x111: {  	(tag) =	ssettag $0x2  }
0x112: {  	s0 =	rddreg [dreg:$0x0];
	s2 =	stileid.u32  }
0x113: {  	s1 =	rddreg [dreg:$0x1];
	p0 =	sne.s32 s2, $0x0  }
0x114: {  	s3 =	rddreg [dreg:$0x2];
	[bflag:$0x3] =	sbarrier.arrive $0xFFFF;
	s2 =	simm.s32 @!p0 $0x1C01  }
0x115: {  	[timem:s3], [sflag:s2] =	dma.local @!p0 [hbm:s0], s1  }
0x116: {  	s0 =	simm.s32 @!p0 $0x1  }
0x117: {  	_ =	swait.ge @!p0 [sflag:s0], s1  }
0x118: {  	s1 =	ssub.s32 @!p0 $0x0, s1;
	[sflag:s0] =	ssyncset.done @!p0 $0x0  }
0x119: {  	[sflag:s0] =	ssyncadd.s32 @!p0 s1  }
0x11a: {  	[bflag:$0x3] =	sbarrier.arrive $0xFFFF  }
0x11b: {  	_ =	shalt  }

</sc_bundles>
